<compile_context>
chip_gen: v7x
topology: tpu7x:2x2x1
jax: 0.10.2.dev20260603
libtpu: 0.0.44.dev20260713+nightly
codegen_flags: <defaults>
</compile_context>

<pallas_src>
import functools

import jax
import jax.numpy as jnp
from jax import lax
from jax.experimental import pallas as pl
from jax.experimental.pallas import tpu as pltpu
from jax.experimental.pallas import tpu_sc as plsc

_NSLOT = 4
_NGATHER = 2


def _make_gather(n_rows: int, dim: int, chunk: int):
    info = plsc.get_sparse_core_info()
    nc, ns = info.num_cores, info.num_subcores
    nw = nc * ns
    assert n_rows % (nw * chunk) == 0
    b_per_w = n_rows // nw
    n_iters = b_per_w // chunk

    mesh = plsc.VectorSubcoreMesh(core_axis_name="c", subcore_axis_name="s")

    @functools.partial(
        pl.kernel,
        mesh=mesh,
        out_type=jax.ShapeDtypeStruct((n_rows, dim), jnp.float32),
        scratch_types=[
            pltpu.VMEM((b_per_w,), jnp.int32),
            pltpu.VMEM((_NSLOT, chunk, dim), jnp.float32),
            pltpu.SemaphoreType.DMA((_NSLOT,)),
            pltpu.SemaphoreType.DMA((_NSLOT,)),
        ],
        compiler_params=pltpu.CompilerParams(use_tc_tiling_on_sc=False),
    )
    def gather_kernel(table_hbm, idx_hbm, out_hbm, idx_v, rows_v, gsem, osem):
        wid = lax.axis_index("s") * nc + lax.axis_index("c")
        base = wid * b_per_w

        pltpu.sync_copy(idx_hbm.at[pl.ds(base, b_per_w)], idx_v)

        def gather_copy(i):
            s = i % _NSLOT
            return pltpu.make_async_copy(
                table_hbm.at[idx_v.at[pl.ds(i * chunk, chunk)]],
                rows_v.at[s],
                gsem.at[s],
            )

        def out_copy(i):
            s = i % _NSLOT
            return pltpu.make_async_copy(
                rows_v.at[s],
                out_hbm.at[pl.ds(base + i * chunk, chunk)],
                osem.at[s],
            )

        for i in range(min(_NGATHER, n_iters)):
            gather_copy(i).start()
        outs_pending = []
        for i in range(n_iters):
            gather_copy(i).wait()
            out_copy(i).start()
            outs_pending.append(i)
            nxt = i + _NGATHER
            if nxt < n_iters:
                reuse = nxt - _NSLOT
                if reuse >= 0:
                    out_copy(reuse).wait()
                    outs_pending.remove(reuse)
                gather_copy(nxt).start()
        for i in outs_pending:
            out_copy(i).wait()

    return gather_kernel


@jax.jit
def kernel(indices, feat_table):
    batch, hist = indices.shape
    vocab, dim = feat_table.shape
    n_rows = batch * hist
    idx_flat = indices.reshape(n_rows).astype(jnp.int32)
    out = _make_gather(n_rows, dim, chunk=800)(feat_table, idx_flat)
    return out.reshape(batch, hist, dim)

# --- scband reference (transcript-rebuilt; emitter-appended) ---
"""Pipeline reference for scband-in-mem-index-to-features-accessor-6588479832164 (READ-ONLY COPY).

The authoritative reference and input builder live on the scoring server;
editing this copy changes nothing except your own understanding.
"""

import jax, jax.numpy as jnp
import numpy as np

VOCAB = 1000000
EMBED_DIM = 32
BATCH = 4096
HIST = 50


def setup_inputs(seed: int = 0) -> dict:
    key = jax.random.key(seed)
    k_idx, k_tab = jax.random.split(key)
    indices = jax.random.randint(k_idx, (BATCH, HIST), 0, VOCAB, dtype=jnp.int64 if jax.config.jax_enable_x64 else jnp.int32)
    # Learned/stored feature table: the 'feat' entry of the features dict
    # passed to InMemIndexToFeaturesAccessor.__init__, shape [num_values, feature_dims].
    feat_table = jax.random.normal(k_tab, (VOCAB, EMBED_DIM), dtype=jnp.float32)
    return {"indices": indices, "feat_table": feat_table}


def reference(indices, feat_table):
    # Faithful to: tf.nest.map_structure(functools.partial(tf.gather, indices=indices), self._features)
    # i.e. a row-gather of each stored feature tensor by the given indices.
    # With a single float feature 'feat', this is one gather along axis 0.
    out = jnp.take(feat_table, indices, axis=0)  # [BATCH, HIST, EMBED_DIM]
    return out

if __name__ == "__main__":
    import jax
    _d = setup_inputs()
    print(jax.jit(kernel)(*tuple(_d.values())))

</pallas_src>

<mosaic_0001>
#map = affine_map<(d0, d1) -> (0, 0)>
#map1 = affine_map<(d0, d1) -> (0)>
module attributes {stable_mosaic.version = 14 : i64} {
  func.func @gather_kernel(%arg0: i32, %arg1: i32, %arg2: memref<1000000x32xf32, #tpu.memory_space<hbm>>, %arg3: memref<204800xi32, #tpu.memory_space<hbm>>, %arg4: memref<204800x32xf32, #tpu.memory_space<hbm>>, %arg5: memref<6400xi32, #tpu.memory_space<vmem>>, %arg6: memref<4x800x32xf32, #tpu.memory_space<vmem>>, %arg7: memref<4x!tpu.dma_semaphore, #tpu.memory_space<semaphore_mem>>, %arg8: memref<4x!tpu.dma_semaphore, #tpu.memory_space<semaphore_mem>>) attributes {dimension_semantics = [#tpu.dimension_semantics<core_parallel>, #tpu.dimension_semantics<subcore_parallel>], iteration_bounds = array<i64: 2, 16>, scalar_prefetch = 0 : i64, scratch_operands = 4 : i64, tpu.core_type = #tpu.core_type<sc_vector_subcore>, window_params = [{transform_indices = #map}, {transform_indices = #map1}, {transform_indices = #map}]} {
    %mul3A = arith.constant 2 : i32
    %mul3A_0 = arith.muli %arg1, %mul3A : i32
    %add3A = arith.addi %mul3A_0, %arg0 : i32
    %mul3A_1 = arith.constant 6400 : i32
    %mul3A_2 = arith.muli %add3A, %mul3A_1 : i32
    "tpu.region"() ({
      %run_scoped3A = tpu.sem_alloc : memref<!tpu.dma_semaphore, #tpu.memory_space<semaphore_mem>>
      %dma_start3A_497 = tpu.memref_slice %arg3[%mul3A_2] : memref<204800xi32, #tpu.memory_space<hbm>> -> memref<6400xi32, #tpu.memory_space<hbm>>
      %dma_start3A_498 = tpu.memref_slice %arg3[%mul3A_2] : memref<204800xi32, #tpu.memory_space<hbm>> -> memref<6400xi32, #tpu.memory_space<hbm>>
      tpu.enqueue_dma source(%dma_start3A_498 : memref<6400xi32, #tpu.memory_space<hbm>>) target(%arg5 : memref<6400xi32, #tpu.memory_space<vmem>>) target_semaphore(%run_scoped3A : memref<!tpu.dma_semaphore, #tpu.memory_space<semaphore_mem>>)
      %dma_wait3A_499 = tpu.memref_slice %arg3[%mul3A_2] : memref<204800xi32, #tpu.memory_space<hbm>> -> memref<6400xi32, #tpu.memory_space<hbm>>
      %dma_wait3A_500 = tpu.memref_slice %arg3[%mul3A_2] : memref<204800xi32, #tpu.memory_space<hbm>> -> memref<6400xi32, #tpu.memory_space<hbm>>
      tpu.wait_dma2 semaphore(%run_scoped3A : memref<!tpu.dma_semaphore, #tpu.memory_space<semaphore_mem>>) src(%dma_wait3A_500 : memref<6400xi32, #tpu.memory_space<hbm>>) dst(%arg5 : memref<6400xi32, #tpu.memory_space<vmem>>)
      tpu.yield
    }) : () -> ()
    %dma_start3A = arith.constant 0 : i32
    %dma_start3A_3 = arith.constant 0 : i32
    %dma_start3A_4 = arith.constant 0 : i32
    %dma_start3A_5 = arith.constant 0 : i32
    %dma_start3A_6 = tpu.memref_slice %arg6[%dma_start3A, %dma_start3A_4, %dma_start3A_5] : memref<4x800x32xf32, #tpu.memory_space<vmem>> -> memref<1x800x32xf32, #tpu.memory_space<vmem>>
    %dma_start3A_7 = tpu.memref_squeeze %dma_start3A_6 : memref<1x800x32xf32, #tpu.memory_space<vmem>> -> memref<800x32xf32, #tpu.memory_space<vmem>>
    %dma_start3A_8 = arith.constant 0 : i32
    %dma_start3A_9 = tpu.memref_slice %arg5[%dma_start3A_8] : memref<6400xi32, #tpu.memory_space<vmem>> -> memref<800xi32, #tpu.memory_space<vmem>>
    %dma_start3A_10 = arith.constant 0 : i32
    %dma_start3A_11 = arith.constant 0 : i32
    %dma_start3A_12 = tpu.memref_slice %arg2[%dma_start3A_10, %dma_start3A_11] : memref<1000000x32xf32, #tpu.memory_space<hbm>> -> memref<1000000x32xf32, #tpu.memory_space<hbm>>
    %dma_start3A_13 = tpu.memref_slice %arg7[%dma_start3A_3] : memref<4x!tpu.dma_semaphore, #tpu.memory_space<semaphore_mem>> -> memref<1x!tpu.dma_semaphore, #tpu.memory_space<semaphore_mem>>
    %dma_start3A_14 = tpu.memref_squeeze %dma_start3A_13 : memref<1x!tpu.dma_semaphore, #tpu.memory_space<semaphore_mem>> -> memref<!tpu.dma_semaphore, #tpu.memory_space<semaphore_mem>>
    tpu.enqueue_indirect_dma source(%dma_start3A_12 : memref<1000000x32xf32, #tpu.memory_space<hbm>>) target(%dma_start3A_7 : memref<800x32xf32, #tpu.memory_space<vmem>>) offsets(%dma_start3A_9 : memref<800xi32, #tpu.memory_space<vmem>>) semaphore(%dma_start3A_14 : memref<!tpu.dma_semaphore, #tpu.memory_space<semaphore_mem>>)
    %dma_start3A_15 = arith.constant 1 : i32
    %dma_start3A_16 = arith.constant 1 : i32
    %dma_start3A_17 = arith.constant 0 : i32
    %dma_start3A_18 = arith.constant 0 : i32
    %dma_start3A_19 = tpu.memref_slice %arg6[%dma_start3A_15, %dma_start3A_17, %dma_start3A_18] : memref<4x800x32xf32, #tpu.memory_space<vmem>> -> memref<1x800x32xf32, #tpu.memory_space<vmem>>
    %dma_start3A_20 = tpu.memref_squeeze %dma_start3A_19 : memref<1x800x32xf32, #tpu.memory_space<vmem>> -> memref<800x32xf32, #tpu.memory_space<vmem>>
    %dma_start3A_21 = arith.constant 800 : i32
    %dma_start3A_22 = tpu.memref_slice %arg5[%dma_start3A_21] : memref<6400xi32, #tpu.memory_space<vmem>> -> memref<800xi32, #tpu.memory_space<vmem>>
    %dma_start3A_23 = arith.constant 0 : i32
    %dma_start3A_24 = arith.constant 0 : i32
    %dma_start3A_25 = tpu.memref_slice %arg2[%dma_start3A_23, %dma_start3A_24] : memref<1000000x32xf32, #tpu.memory_space<hbm>> -> memref<1000000x32xf32, #tpu.memory_space<hbm>>
    %dma_start3A_26 = tpu.memref_slice %arg7[%dma_start3A_16] : memref<4x!tpu.dma_semaphore, #tpu.memory_space<semaphore_mem>> -> memref<1x!tpu.dma_semaphore, #tpu.memory_space<semaphore_mem>>
    %dma_start3A_27 = tpu.memref_squeeze %dma_start3A_26 : memref<1x!tpu.dma_semaphore, #tpu.memory_space<semaphore_mem>> -> memref<!tpu.dma_semaphore, #tpu.memory_space<semaphore_mem>>
    tpu.enqueue_indirect_dma source(%dma_start3A_25 : memref<1000000x32xf32, #tpu.memory_space<hbm>>) target(%dma_start3A_20 : memref<800x32xf32, #tpu.memory_space<vmem>>) offsets(%dma_start3A_22 : memref<800xi32, #tpu.memory_space<vmem>>) semaphore(%dma_start3A_27 : memref<!tpu.dma_semaphore, #tpu.memory_space<semaphore_mem>>)
    %dma_wait3A = arith.constant 0 : i32
    %dma_wait3A_28 = arith.constant 0 : i32
    %dma_wait3A_29 = arith.constant 0 : i32
    %dma_wait3A_30 = arith.constant 0 : i32
    %dma_wait3A_31 = tpu.memref_slice %arg6[%dma_wait3A, %dma_wait3A_29, %dma_wait3A_30] : memref<4x800x32xf32, #tpu.memory_space<vmem>> -> memref<1x800x32xf32, #tpu.memory_space<vmem>>
    %dma_wait3A_32 = tpu.memref_squeeze %dma_wait3A_31 : memref<1x800x32xf32, #tpu.memory_space<vmem>> -> memref<800x32xf32, #tpu.memory_space<vmem>>
    %dma_wait3A_33 = arith.constant 0 : i32
    %dma_wait3A_34 = tpu.memref_slice %arg5[%dma_wait3A_33] : memref<6400xi32, #tpu.memory_space<vmem>> -> memref<800xi32, #tpu.memory_space<vmem>>
    %dma_wait3A_35 = arith.constant 0 : i32
    %dma_wait3A_36 = arith.constant 0 : i32
    %dma_wait3A_37 = tpu.memref_slice %arg2[%dma_wait3A_35, %dma_wait3A_36] : memref<1000000x32xf32, #tpu.memory_space<hbm>> -> memref<1000000x32xf32, #tpu.memory_space<hbm>>
    %dma_wait3A_38 = tpu.memref_slice %arg7[%dma_wait3A_28] : memref<4x!tpu.dma_semaphore, #tpu.memory_space<semaphore_mem>> -> memref<1x!tpu.dma_semaphore, #tpu.memory_space<semaphore_mem>>
    %dma_wait3A_39 = tpu.memref_squeeze %dma_wait3A_38 : memref<1x!tpu.dma_semaphore, #tpu.memory_space<semaphore_mem>> -> memref<!tpu.dma_semaphore, #tpu.memory_space<semaphore_mem>>
    tpu.wait_indirect_dma semaphore(%dma_wait3A_39 : memref<!tpu.dma_semaphore, #tpu.memory_space<semaphore_mem>>) src(%dma_wait3A_37 : memref<1000000x32xf32, #tpu.memory_space<hbm>>) dst(%dma_wait3A_32 : memref<800x32xf32, #tpu.memory_space<vmem>>)
    %add3A_40 = arith.constant 0 : i32
    %add3A_41 = arith.addi %mul3A_2, %add3A_40 : i32
    %dma_start3A_42 = arith.constant 0 : i32
    %dma_start3A_43 = arith.constant 0 : i32
    %dma_start3A_44 = arith.constant 0 : i32
    %dma_start3A_45 = arith.constant 0 : i32
    %dma_start3A_46 = tpu.memref_slice %arg6[%dma_start3A_42, %dma_start3A_44, %dma_start3A_45] : memref<4x800x32xf32, #tpu.memory_space<vmem>> -> memref<1x800x32xf32, #tpu.memory_space<vmem>>
    %dma_start3A_47 = tpu.memref_squeeze %dma_start3A_46 : memref<1x800x32xf32, #tpu.memory_space<vmem>> -> memref<800x32xf32, #tpu.memory_space<vmem>>
    %dma_start3A_48 = arith.constant 0 : i32
    %dma_start3A_49 = tpu.memref_slice %arg4[%add3A_41, %dma_start3A_48] : memref<204800x32xf32, #tpu.memory_space<hbm>> -> memref<800x32xf32, #tpu.memory_space<hbm>>
    %dma_start3A_50 = tpu.memref_slice %arg8[%dma_start3A_43] : memref<4x!tpu.dma_semaphore, #tpu.memory_space<semaphore_mem>> -> memref<1x!tpu.dma_semaphore, #tpu.memory_space<semaphore_mem>>
    %dma_start3A_51 = tpu.memref_squeeze %dma_start3A_50 : memref<1x!tpu.dma_semaphore, #tpu.memory_space<semaphore_mem>> -> memref<!tpu.dma_semaphore, #tpu.memory_space<semaphore_mem>>
    %dma_start3A_52 = arith.constant 0 : i32
    %dma_start3A_53 = tpu.memref_slice %arg4[%add3A_41, %dma_start3A_52] : memref<204800x32xf32, #tpu.memory_space<hbm>> -> memref<800x32xf32, #tpu.memory_space<hbm>>
    %dma_start3A_54 = arith.constant 0 : i32
    %dma_start3A_55 = arith.constant 0 : i32
    %dma_start3A_56 = tpu.memref_slice %arg6[%dma_start3A_42, %dma_start3A_54, %dma_start3A_55] : memref<4x800x32xf32, #tpu.memory_space<vmem>> -> memref<1x800x32xf32, #tpu.memory_space<vmem>>
    %dma_start3A_57 = tpu.memref_squeeze %dma_start3A_56 : memref<1x800x32xf32, #tpu.memory_space<vmem>> -> memref<800x32xf32, #tpu.memory_space<vmem>>
    tpu.enqueue_dma source(%dma_start3A_57 : memref<800x32xf32, #tpu.memory_space<vmem>>) target(%dma_start3A_53 : memref<800x32xf32, #tpu.memory_space<hbm>>) target_semaphore(%dma_start3A_51 : memref<!tpu.dma_semaphore, #tpu.memory_space<semaphore_mem>>)
    %dma_start3A_58 = arith.constant 2 : i32
    %dma_start3A_59 = arith.constant 2 : i32
    %dma_start3A_60 = arith.constant 0 : i32
    %dma_start3A_61 = arith.constant 0 : i32
    %dma_start3A_62 = tpu.memref_slice %arg6[%dma_start3A_58, %dma_start3A_60, %dma_start3A_61] : memref<4x800x32xf32, #tpu.memory_space<vmem>> -> memref<1x800x32xf32, #tpu.memory_space<vmem>>
    %dma_start3A_63 = tpu.memref_squeeze %dma_start3A_62 : memref<1x800x32xf32, #tpu.memory_space<vmem>> -> memref<800x32xf32, #tpu.memory_space<vmem>>
    %dma_start3A_64 = arith.constant 1600 : i32
    %dma_start3A_65 = tpu.memref_slice %arg5[%dma_start3A_64] : memref<6400xi32, #tpu.memory_space<vmem>> -> memref<800xi32, #tpu.memory_space<vmem>>
    %dma_start3A_66 = arith.constant 0 : i32
    %dma_start3A_67 = arith.constant 0 : i32
    %dma_start3A_68 = tpu.memref_slice %arg2[%dma_start3A_66, %dma_start3A_67] : memref<1000000x32xf32, #tpu.memory_space<hbm>> -> memref<1000000x32xf32, #tpu.memory_space<hbm>>
    %dma_start3A_69 = tpu.memref_slice %arg7[%dma_start3A_59] : memref<4x!tpu.dma_semaphore, #tpu.memory_space<semaphore_mem>> -> memref<1x!tpu.dma_semaphore, #tpu.memory_space<semaphore_mem>>
    %dma_start3A_70 = tpu.memref_squeeze %dma_start3A_69 : memref<1x!tpu.dma_semaphore, #tpu.memory_space<semaphore_mem>> -> memref<!tpu.dma_semaphore, #tpu.memory_space<semaphore_mem>>
    tpu.enqueue_indirect_dma source(%dma_start3A_68 : memref<1000000x32xf32, #tpu.memory_space<hbm>>) target(%dma_start3A_63 : memref<800x32xf32, #tpu.memory_space<vmem>>) offsets(%dma_start3A_65 : memref<800xi32, #tpu.memory_space<vmem>>) semaphore(%dma_start3A_70 : memref<!tpu.dma_semaphore, #tpu.memory_space<semaphore_mem>>)
    %dma_wait3A_71 = arith.constant 1 : i32
    %dma_wait3A_72 = arith.constant 1 : i32
    %dma_wait3A_73 = arith.constant 0 : i32
    %dma_wait3A_74 = arith.constant 0 : i32
    %dma_wait3A_75 = tpu.memref_slice %arg6[%dma_wait3A_71, %dma_wait3A_73, %dma_wait3A_74] : memref<4x800x32xf32, #tpu.memory_space<vmem>> -> memref<1x800x32xf32, #tpu.memory_space<vmem>>
    %dma_wait3A_76 = tpu.memref_squeeze %dma_wait3A_75 : memref<1x800x32xf32, #tpu.memory_space<vmem>> -> memref<800x32xf32, #tpu.memory_space<vmem>>
    %dma_wait3A_77 = arith.constant 800 : i32
    %dma_wait3A_78 = tpu.memref_slice %arg5[%dma_wait3A_77] : memref<6400xi32, #tpu.memory_space<vmem>> -> memref<800xi32, #tpu.memory_space<vmem>>
    %dma_wait3A_79 = arith.constant 0 : i32
    %dma_wait3A_80 = arith.constant 0 : i32
    %dma_wait3A_81 = tpu.memref_slice %arg2[%dma_wait3A_79, %dma_wait3A_80] : memref<1000000x32xf32, #tpu.memory_space<hbm>> -> memref<1000000x32xf32, #tpu.memory_space<hbm>>
    %dma_wait3A_82 = tpu.memref_slice %arg7[%dma_wait3A_72] : memref<4x!tpu.dma_semaphore, #tpu.memory_space<semaphore_mem>> -> memref<1x!tpu.dma_semaphore, #tpu.memory_space<semaphore_mem>>
    %dma_wait3A_83 = tpu.memref_squeeze %dma_wait3A_82 : memref<1x!tpu.dma_semaphore, #tpu.memory_space<semaphore_mem>> -> memref<!tpu.dma_semaphore, #tpu.memory_space<semaphore_mem>>
    tpu.wait_indirect_dma semaphore(%dma_wait3A_83 : memref<!tpu.dma_semaphore, #tpu.memory_space<semaphore_mem>>) src(%dma_wait3A_81 : memref<1000000x32xf32, #tpu.memory_space<hbm>>) dst(%dma_wait3A_76 : memref<800x32xf32, #tpu.memory_space<vmem>>)
    %add3A_84 = arith.constant 800 : i32
    %add3A_85 = arith.addi %mul3A_2, %add3A_84 : i32
    %dma_start3A_86 = arith.constant 1 : i32
    %dma_start3A_87 = arith.constant 1 : i32
    %dma_start3A_88 = arith.constant 0 : i32
    %dma_start3A_89 = arith.constant 0 : i32
    %dma_start3A_90 = tpu.memref_slice %arg6[%dma_start3A_86, %dma_start3A_88, %dma_start3A_89] : memref<4x800x32xf32, #tpu.memory_space<vmem>> -> memref<1x800x32xf32, #tpu.memory_space<vmem>>
    %dma_start3A_91 = tpu.memref_squeeze %dma_start3A_90 : memref<1x800x32xf32, #tpu.memory_space<vmem>> -> memref<800x32xf32, #tpu.memory_space<vmem>>
    %dma_start3A_92 = arith.constant 0 : i32
    %dma_start3A_93 = tpu.memref_slice %arg4[%add3A_85, %dma_start3A_92] : memref<204800x32xf32, #tpu.memory_space<hbm>> -> memref<800x32xf32, #tpu.memory_space<hbm>>
    %dma_start3A_94 = tpu.memref_slice %arg8[%dma_start3A_87] : memref<4x!tpu.dma_semaphore, #tpu.memory_space<semaphore_mem>> -> memref<1x!tpu.dma_semaphore, #tpu.memory_space<semaphore_mem>>
    %dma_start3A_95 = tpu.memref_squeeze %dma_start3A_94 : memref<1x!tpu.dma_semaphore, #tpu.memory_space<semaphore_mem>> -> memref<!tpu.dma_semaphore, #tpu.memory_space<semaphore_mem>>
    %dma_start3A_96 = arith.constant 0 : i32
    %dma_start3A_97 = tpu.memref_slice %arg4[%add3A_85, %dma_start3A_96] : memref<204800x32xf32, #tpu.memory_space<hbm>> -> memref<800x32xf32, #tpu.memory_space<hbm>>
    %dma_start3A_98 = arith.constant 0 : i32
    %dma_start3A_99 = arith.constant 0 : i32
    %dma_start3A_100 = tpu.memref_slice %arg6[%dma_start3A_86, %dma_start3A_98, %dma_start3A_99] : memref<4x800x32xf32, #tpu.memory_space<vmem>> -> memref<1x800x32xf32, #tpu.memory_space<vmem>>
    %dma_start3A_101 = tpu.memref_squeeze %dma_start3A_100 : memref<1x800x32xf32, #tpu.memory_space<vmem>> -> memref<800x32xf32, #tpu.memory_space<vmem>>
    tpu.enqueue_dma source(%dma_start3A_101 : memref<800x32xf32, #tpu.memory_space<vmem>>) target(%dma_start3A_97 : memref<800x32xf32, #tpu.memory_space<hbm>>) target_semaphore(%dma_start3A_95 : memref<!tpu.dma_semaphore, #tpu.memory_space<semaphore_mem>>)
    %dma_start3A_102 = arith.constant 3 : i32
    %dma_start3A_103 = arith.constant 3 : i32
    %dma_start3A_104 = arith.constant 0 : i32
    %dma_start3A_105 = arith.constant 0 : i32
    %dma_start3A_106 = tpu.memref_slice %arg6[%dma_start3A_102, %dma_start3A_104, %dma_start3A_105] : memref<4x800x32xf32, #tpu.memory_space<vmem>> -> memref<1x800x32xf32, #tpu.memory_space<vmem>>
    %dma_start3A_107 = tpu.memref_squeeze %dma_start3A_106 : memref<1x800x32xf32, #tpu.memory_space<vmem>> -> memref<800x32xf32, #tpu.memory_space<vmem>>
    %dma_start3A_108 = arith.constant 2400 : i32
    %dma_start3A_109 = tpu.memref_slice %arg5[%dma_start3A_108] : memref<6400xi32, #tpu.memory_space<vmem>> -> memref<800xi32, #tpu.memory_space<vmem>>
    %dma_start3A_110 = arith.constant 0 : i32
    %dma_start3A_111 = arith.constant 0 : i32
    %dma_start3A_112 = tpu.memref_slice %arg2[%dma_start3A_110, %dma_start3A_111] : memref<1000000x32xf32, #tpu.memory_space<hbm>> -> memref<1000000x32xf32, #tpu.memory_space<hbm>>
    %dma_start3A_113 = tpu.memref_slice %arg7[%dma_start3A_103] : memref<4x!tpu.dma_semaphore, #tpu.memory_space<semaphore_mem>> -> memref<1x!tpu.dma_semaphore, #tpu.memory_space<semaphore_mem>>
    %dma_start3A_114 = tpu.memref_squeeze %dma_start3A_113 : memref<1x!tpu.dma_semaphore, #tpu.memory_space<semaphore_mem>> -> memref<!tpu.dma_semaphore, #tpu.memory_space<semaphore_mem>>
    tpu.enqueue_indirect_dma source(%dma_start3A_112 : memref<1000000x32xf32, #tpu.memory_space<hbm>>) target(%dma_start3A_107 : memref<800x32xf32, #tpu.memory_space<vmem>>) offsets(%dma_start3A_109 : memref<800xi32, #tpu.memory_space<vmem>>) semaphore(%dma_start3A_114 : memref<!tpu.dma_semaphore, #tpu.memory_space<semaphore_mem>>)
    %dma_wait3A_115 = arith.constant 2 : i32
    %dma_wait3A_116 = arith.constant 2 : i32
    %dma_wait3A_117 = arith.constant 0 : i32
    %dma_wait3A_118 = arith.constant 0 : i32
    %dma_wait3A_119 = tpu.memref_slice %arg6[%dma_wait3A_115, %dma_wait3A_117, %dma_wait3A_118] : memref<4x800x32xf32, #tpu.memory_space<vmem>> -> memref<1x800x32xf32, #tpu.memory_space<vmem>>
    %dma_wait3A_120 = tpu.memref_squeeze %dma_wait3A_119 : memref<1x800x32xf32, #tpu.memory_space<vmem>> -> memref<800x32xf32, #tpu.memory_space<vmem>>
    %dma_wait3A_121 = arith.constant 1600 : i32
    %dma_wait3A_122 = tpu.memref_slice %arg5[%dma_wait3A_121] : memref<6400xi32, #tpu.memory_space<vmem>> -> memref<800xi32, #tpu.memory_space<vmem>>
    %dma_wait3A_123 = arith.constant 0 : i32
    %dma_wait3A_124 = arith.constant 0 : i32
    %dma_wait3A_125 = tpu.memref_slice %arg2[%dma_wait3A_123, %dma_wait3A_124] : memref<1000000x32xf32, #tpu.memory_space<hbm>> -> memref<1000000x32xf32, #tpu.memory_space<hbm>>
    %dma_wait3A_126 = tpu.memref_slice %arg7[%dma_wait3A_116] : memref<4x!tpu.dma_semaphore, #tpu.memory_space<semaphore_mem>> -> memref<1x!tpu.dma_semaphore, #tpu.memory_space<semaphore_mem>>
    %dma_wait3A_127 = tpu.memref_squeeze %dma_wait3A_126 : memref<1x!tpu.dma_semaphore, #tpu.memory_space<semaphore_mem>> -> memref<!tpu.dma_semaphore, #tpu.memory_space<semaphore_mem>>
    tpu.wait_indirect_dma semaphore(%dma_wait3A_127 : memref<!tpu.dma_semaphore, #tpu.memory_space<semaphore_mem>>) src(%dma_wait3A_125 : memref<1000000x32xf32, #tpu.memory_space<hbm>>) dst(%dma_wait3A_120 : memref<800x32xf32, #tpu.memory_space<vmem>>)
    %add3A_128 = arith.constant 1600 : i32
    %add3A_129 = arith.addi %mul3A_2, %add3A_128 : i32
    %dma_start3A_130 = arith.constant 2 : i32
    %dma_start3A_131 = arith.constant 2 : i32
    %dma_start3A_132 = arith.constant 0 : i32
    %dma_start3A_133 = arith.constant 0 : i32
    %dma_start3A_134 = tpu.memref_slice %arg6[%dma_start3A_130, %dma_start3A_132, %dma_start3A_133] : memref<4x800x32xf32, #tpu.memory_space<vmem>> -> memref<1x800x32xf32, #tpu.memory_space<vmem>>
    %dma_start3A_135 = tpu.memref_squeeze %dma_start3A_134 : memref<1x800x32xf32, #tpu.memory_space<vmem>> -> memref<800x32xf32, #tpu.memory_space<vmem>>
    %dma_start3A_136 = arith.constant 0 : i32
    %dma_start3A_137 = tpu.memref_slice %arg4[%add3A_129, %dma_start3A_136] : memref<204800x32xf32, #tpu.memory_space<hbm>> -> memref<800x32xf32, #tpu.memory_space<hbm>>
    %dma_start3A_138 = tpu.memref_slice %arg8[%dma_start3A_131] : memref<4x!tpu.dma_semaphore, #tpu.memory_space<semaphore_mem>> -> memref<1x!tpu.dma_semaphore, #tpu.memory_space<semaphore_mem>>
    %dma_start3A_139 = tpu.memref_squeeze %dma_start3A_138 : memref<1x!tpu.dma_semaphore, #tpu.memory_space<semaphore_mem>> -> memref<!tpu.dma_semaphore, #tpu.memory_space<semaphore_mem>>
    %dma_start3A_140 = arith.constant 0 : i32
    %dma_start3A_141 = tpu.memref_slice %arg4[%add3A_129, %dma_start3A_140] : memref<204800x32xf32, #tpu.memory_space<hbm>> -> memref<800x32xf32, #tpu.memory_space<hbm>>
    %dma_start3A_142 = arith.constant 0 : i32
    %dma_start3A_143 = arith.constant 0 : i32
    %dma_start3A_144 = tpu.memref_slice %arg6[%dma_start3A_130, %dma_start3A_142, %dma_start3A_143] : memref<4x800x32xf32, #tpu.memory_space<vmem>> -> memref<1x800x32xf32, #tpu.memory_space<vmem>>
    %dma_start3A_145 = tpu.memref_squeeze %dma_start3A_144 : memref<1x800x32xf32, #tpu.memory_space<vmem>> -> memref<800x32xf32, #tpu.memory_space<vmem>>
    tpu.enqueue_dma source(%dma_start3A_145 : memref<800x32xf32, #tpu.memory_space<vmem>>) target(%dma_start3A_141 : memref<800x32xf32, #tpu.memory_space<hbm>>) target_semaphore(%dma_start3A_139 : memref<!tpu.dma_semaphore, #tpu.memory_space<semaphore_mem>>)
    %add3A_146 = arith.constant 0 : i32
    %add3A_147 = arith.addi %mul3A_2, %add3A_146 : i32
    %dma_wait3A_148 = arith.constant 0 : i32
    %dma_wait3A_149 = arith.constant 0 : i32
    %dma_wait3A_150 = arith.constant 0 : i32
    %dma_wait3A_151 = arith.constant 0 : i32
    %dma_wait3A_152 = tpu.memref_slice %arg6[%dma_wait3A_148, %dma_wait3A_150, %dma_wait3A_151] : memref<4x800x32xf32, #tpu.memory_space<vmem>> -> memref<1x800x32xf32, #tpu.memory_space<vmem>>
    %dma_wait3A_153 = tpu.memref_squeeze %dma_wait3A_152 : memref<1x800x32xf32, #tpu.memory_space<vmem>> -> memref<800x32xf32, #tpu.memory_space<vmem>>
    %dma_wait3A_154 = arith.constant 0 : i32
    %dma_wait3A_155 = tpu.memref_slice %arg4[%add3A_147, %dma_wait3A_154] : memref<204800x32xf32, #tpu.memory_space<hbm>> -> memref<800x32xf32, #tpu.memory_space<hbm>>
    %dma_wait3A_156 = tpu.memref_slice %arg8[%dma_wait3A_149] : memref<4x!tpu.dma_semaphore, #tpu.memory_space<semaphore_mem>> -> memref<1x!tpu.dma_semaphore, #tpu.memory_space<semaphore_mem>>
    %dma_wait3A_157 = tpu.memref_squeeze %dma_wait3A_156 : memref<1x!tpu.dma_semaphore, #tpu.memory_space<semaphore_mem>> -> memref<!tpu.dma_semaphore, #tpu.memory_space<semaphore_mem>>
    %dma_wait3A_158 = arith.constant 0 : i32
    %dma_wait3A_159 = tpu.memref_slice %arg4[%add3A_147, %dma_wait3A_158] : memref<204800x32xf32, #tpu.memory_space<hbm>> -> memref<800x32xf32, #tpu.memory_space<hbm>>
    %dma_wait3A_160 = arith.constant 0 : i32
    %dma_wait3A_161 = arith.constant 0 : i32
    %dma_wait3A_162 = tpu.memref_slice %arg6[%dma_wait3A_148, %dma_wait3A_160, %dma_wait3A_161] : memref<4x800x32xf32, #tpu.memory_space<vmem>> -> memref<1x800x32xf32, #tpu.memory_space<vmem>>
    %dma_wait3A_163 = tpu.memref_squeeze %dma_wait3A_162 : memref<1x800x32xf32, #tpu.memory_space<vmem>> -> memref<800x32xf32, #tpu.memory_space<vmem>>
    tpu.wait_dma2 semaphore(%dma_wait3A_157 : memref<!tpu.dma_semaphore, #tpu.memory_space<semaphore_mem>>) src(%dma_wait3A_163 : memref<800x32xf32, #tpu.memory_space<vmem>>) dst(%dma_wait3A_159 : memref<800x32xf32, #tpu.memory_space<hbm>>)
    %dma_start3A_164 = arith.constant 0 : i32
    %dma_start3A_165 = arith.constant 0 : i32
    %dma_start3A_166 = arith.constant 0 : i32
    %dma_start3A_167 = arith.constant 0 : i32
    %dma_start3A_168 = tpu.memref_slice %arg6[%dma_start3A_164, %dma_start3A_166, %dma_start3A_167] : memref<4x800x32xf32, #tpu.memory_space<vmem>> -> memref<1x800x32xf32, #tpu.memory_space<vmem>>
    %dma_start3A_169 = tpu.memref_squeeze %dma_start3A_168 : memref<1x800x32xf32, #tpu.memory_space<vmem>> -> memref<800x32xf32, #tpu.memory_space<vmem>>
    %dma_start3A_170 = arith.constant 3200 : i32
    %dma_start3A_171 = tpu.memref_slice %arg5[%dma_start3A_170] : memref<6400xi32, #tpu.memory_space<vmem>> -> memref<800xi32, #tpu.memory_space<vmem>>
    %dma_start3A_172 = arith.constant 0 : i32
    %dma_start3A_173 = arith.constant 0 : i32
    %dma_start3A_174 = tpu.memref_slice %arg2[%dma_start3A_172, %dma_start3A_173] : memref<1000000x32xf32, #tpu.memory_space<hbm>> -> memref<1000000x32xf32, #tpu.memory_space<hbm>>
    %dma_start3A_175 = tpu.memref_slice %arg7[%dma_start3A_165] : memref<4x!tpu.dma_semaphore, #tpu.memory_space<semaphore_mem>> -> memref<1x!tpu.dma_semaphore, #tpu.memory_space<semaphore_mem>>
    %dma_start3A_176 = tpu.memref_squeeze %dma_start3A_175 : memref<1x!tpu.dma_semaphore, #tpu.memory_space<semaphore_mem>> -> memref<!tpu.dma_semaphore, #tpu.memory_space<semaphore_mem>>
    tpu.enqueue_indirect_dma source(%dma_start3A_174 : memref<1000000x32xf32, #tpu.memory_space<hbm>>) target(%dma_start3A_169 : memref<800x32xf32, #tpu.memory_space<vmem>>) offsets(%dma_start3A_171 : memref<800xi32, #tpu.memory_space<vmem>>) semaphore(%dma_start3A_176 : memref<!tpu.dma_semaphore, #tpu.memory_space<semaphore_mem>>)
    %dma_wait3A_177 = arith.constant 3 : i32
    %dma_wait3A_178 = arith.constant 3 : i32
    %dma_wait3A_179 = arith.constant 0 : i32
    %dma_wait3A_180 = arith.constant 0 : i32
    %dma_wait3A_181 = tpu.memref_slice %arg6[%dma_wait3A_177, %dma_wait3A_179, %dma_wait3A_180] : memref<4x800x32xf32, #tpu.memory_space<vmem>> -> memref<1x800x32xf32, #tpu.memory_space<vmem>>
    %dma_wait3A_182 = tpu.memref_squeeze %dma_wait3A_181 : memref<1x800x32xf32, #tpu.memory_space<vmem>> -> memref<800x32xf32, #tpu.memory_space<vmem>>
    %dma_wait3A_183 = arith.constant 2400 : i32
    %dma_wait3A_184 = tpu.memref_slice %arg5[%dma_wait3A_183] : memref<6400xi32, #tpu.memory_space<vmem>> -> memref<800xi32, #tpu.memory_space<vmem>>
    %dma_wait3A_185 = arith.constant 0 : i32
    %dma_wait3A_186 = arith.constant 0 : i32
    %dma_wait3A_187 = tpu.memref_slice %arg2[%dma_wait3A_185, %dma_wait3A_186] : memref<1000000x32xf32, #tpu.memory_space<hbm>> -> memref<1000000x32xf32, #tpu.memory_space<hbm>>
    %dma_wait3A_188 = tpu.memref_slice %arg7[%dma_wait3A_178] : memref<4x!tpu.dma_semaphore, #tpu.memory_space<semaphore_mem>> -> memref<1x!tpu.dma_semaphore, #tpu.memory_space<semaphore_mem>>
    %dma_wait3A_189 = tpu.memref_squeeze %dma_wait3A_188 : memref<1x!tpu.dma_semaphore, #tpu.memory_space<semaphore_mem>> -> memref<!tpu.dma_semaphore, #tpu.memory_space<semaphore_mem>>
    tpu.wait_indirect_dma semaphore(%dma_wait3A_189 : memref<!tpu.dma_semaphore, #tpu.memory_space<semaphore_mem>>) src(%dma_wait3A_187 : memref<1000000x32xf32, #tpu.memory_space<hbm>>) dst(%dma_wait3A_182 : memref<800x32xf32, #tpu.memory_space<vmem>>)
    %add3A_190 = arith.constant 2400 : i32
    %add3A_191 = arith.addi %mul3A_2, %add3A_190 : i32
    %dma_start3A_192 = arith.constant 3 : i32
    %dma_start3A_193 = arith.constant 3 : i32
    %dma_start3A_194 = arith.constant 0 : i32
    %dma_start3A_195 = arith.constant 0 : i32
    %dma_start3A_196 = tpu.memref_slice %arg6[%dma_start3A_192, %dma_start3A_194, %dma_start3A_195] : memref<4x800x32xf32, #tpu.memory_space<vmem>> -> memref<1x800x32xf32, #tpu.memory_space<vmem>>
    %dma_start3A_197 = tpu.memref_squeeze %dma_start3A_196 : memref<1x800x32xf32, #tpu.memory_space<vmem>> -> memref<800x32xf32, #tpu.memory_space<vmem>>
    %dma_start3A_198 = arith.constant 0 : i32
    %dma_start3A_199 = tpu.memref_slice %arg4[%add3A_191, %dma_start3A_198] : memref<204800x32xf32, #tpu.memory_space<hbm>> -> memref<800x32xf32, #tpu.memory_space<hbm>>
    %dma_start3A_200 = tpu.memref_slice %arg8[%dma_start3A_193] : memref<4x!tpu.dma_semaphore, #tpu.memory_space<semaphore_mem>> -> memref<1x!tpu.dma_semaphore, #tpu.memory_space<semaphore_mem>>
    %dma_start3A_201 = tpu.memref_squeeze %dma_start3A_200 : memref<1x!tpu.dma_semaphore, #tpu.memory_space<semaphore_mem>> -> memref<!tpu.dma_semaphore, #tpu.memory_space<semaphore_mem>>
    %dma_start3A_202 = arith.constant 0 : i32
    %dma_start3A_203 = tpu.memref_slice %arg4[%add3A_191, %dma_start3A_202] : memref<204800x32xf32, #tpu.memory_space<hbm>> -> memref<800x32xf32, #tpu.memory_space<hbm>>
    %dma_start3A_204 = arith.constant 0 : i32
    %dma_start3A_205 = arith.constant 0 : i32
    %dma_start3A_206 = tpu.memref_slice %arg6[%dma_start3A_192, %dma_start3A_204, %dma_start3A_205] : memref<4x800x32xf32, #tpu.memory_space<vmem>> -> memref<1x800x32xf32, #tpu.memory_space<vmem>>
    %dma_start3A_207 = tpu.memref_squeeze %dma_start3A_206 : memref<1x800x32xf32, #tpu.memory_space<vmem>> -> memref<800x32xf32, #tpu.memory_space<vmem>>
    tpu.enqueue_dma source(%dma_start3A_207 : memref<800x32xf32, #tpu.memory_space<vmem>>) target(%dma_start3A_203 : memref<800x32xf32, #tpu.memory_space<hbm>>) target_semaphore(%dma_start3A_201 : memref<!tpu.dma_semaphore, #tpu.memory_space<semaphore_mem>>)
    %add3A_208 = arith.constant 800 : i32
    %add3A_209 = arith.addi %mul3A_2, %add3A_208 : i32
    %dma_wait3A_210 = arith.constant 1 : i32
    %dma_wait3A_211 = arith.constant 1 : i32
    %dma_wait3A_212 = arith.constant 0 : i32
    %dma_wait3A_213 = arith.constant 0 : i32
    %dma_wait3A_214 = tpu.memref_slice %arg6[%dma_wait3A_210, %dma_wait3A_212, %dma_wait3A_213] : memref<4x800x32xf32, #tpu.memory_space<vmem>> -> memref<1x800x32xf32, #tpu.memory_space<vmem>>
    %dma_wait3A_215 = tpu.memref_squeeze %dma_wait3A_214 : memref<1x800x32xf32, #tpu.memory_space<vmem>> -> memref<800x32xf32, #tpu.memory_space<vmem>>
    %dma_wait3A_216 = arith.constant 0 : i32
    %dma_wait3A_217 = tpu.memref_slice %arg4[%add3A_209, %dma_wait3A_216] : memref<204800x32xf32, #tpu.memory_space<hbm>> -> memref<800x32xf32, #tpu.memory_space<hbm>>
    %dma_wait3A_218 = tpu.memref_slice %arg8[%dma_wait3A_211] : memref<4x!tpu.dma_semaphore, #tpu.memory_space<semaphore_mem>> -> memref<1x!tpu.dma_semaphore, #tpu.memory_space<semaphore_mem>>
    %dma_wait3A_219 = tpu.memref_squeeze %dma_wait3A_218 : memref<1x!tpu.dma_semaphore, #tpu.memory_space<semaphore_mem>> -> memref<!tpu.dma_semaphore, #tpu.memory_space<semaphore_mem>>
    %dma_wait3A_220 = arith.constant 0 : i32
    %dma_wait3A_221 = tpu.memref_slice %arg4[%add3A_209, %dma_wait3A_220] : memref<204800x32xf32, #tpu.memory_space<hbm>> -> memref<800x32xf32, #tpu.memory_space<hbm>>
    %dma_wait3A_222 = arith.constant 0 : i32
    %dma_wait3A_223 = arith.constant 0 : i32
    %dma_wait3A_224 = tpu.memref_slice %arg6[%dma_wait3A_210, %dma_wait3A_222, %dma_wait3A_223] : memref<4x800x32xf32, #tpu.memory_space<vmem>> -> memref<1x800x32xf32, #tpu.memory_space<vmem>>
    %dma_wait3A_225 = tpu.memref_squeeze %dma_wait3A_224 : memref<1x800x32xf32, #tpu.memory_space<vmem>> -> memref<800x32xf32, #tpu.memory_space<vmem>>
    tpu.wait_dma2 semaphore(%dma_wait3A_219 : memref<!tpu.dma_semaphore, #tpu.memory_space<semaphore_mem>>) src(%dma_wait3A_225 : memref<800x32xf32, #tpu.memory_space<vmem>>) dst(%dma_wait3A_221 : memref<800x32xf32, #tpu.memory_space<hbm>>)
    %dma_start3A_226 = arith.constant 1 : i32
    %dma_start3A_227 = arith.constant 1 : i32
    %dma_start3A_228 = arith.constant 0 : i32
    %dma_start3A_229 = arith.constant 0 : i32
    %dma_start3A_230 = tpu.memref_slice %arg6[%dma_start3A_226, %dma_start3A_228, %dma_start3A_229] : memref<4x800x32xf32, #tpu.memory_space<vmem>> -> memref<1x800x32xf32, #tpu.memory_space<vmem>>
    %dma_start3A_231 = tpu.memref_squeeze %dma_start3A_230 : memref<1x800x32xf32, #tpu.memory_space<vmem>> -> memref<800x32xf32, #tpu.memory_space<vmem>>
    %dma_start3A_232 = arith.constant 4000 : i32
    %dma_start3A_233 = tpu.memref_slice %arg5[%dma_start3A_232] : memref<6400xi32, #tpu.memory_space<vmem>> -> memref<800xi32, #tpu.memory_space<vmem>>
    %dma_start3A_234 = arith.constant 0 : i32
    %dma_start3A_235 = arith.constant 0 : i32
    %dma_start3A_236 = tpu.memref_slice %arg2[%dma_start3A_234, %dma_start3A_235] : memref<1000000x32xf32, #tpu.memory_space<hbm>> -> memref<1000000x32xf32, #tpu.memory_space<hbm>>
    %dma_start3A_237 = tpu.memref_slice %arg7[%dma_start3A_227] : memref<4x!tpu.dma_semaphore, #tpu.memory_space<semaphore_mem>> -> memref<1x!tpu.dma_semaphore, #tpu.memory_space<semaphore_mem>>
    %dma_start3A_238 = tpu.memref_squeeze %dma_start3A_237 : memref<1x!tpu.dma_semaphore, #tpu.memory_space<semaphore_mem>> -> memref<!tpu.dma_semaphore, #tpu.memory_space<semaphore_mem>>
    tpu.enqueue_indirect_dma source(%dma_start3A_236 : memref<1000000x32xf32, #tpu.memory_space<hbm>>) target(%dma_start3A_231 : memref<800x32xf32, #tpu.memory_space<vmem>>) offsets(%dma_start3A_233 : memref<800xi32, #tpu.memory_space<vmem>>) semaphore(%dma_start3A_238 : memref<!tpu.dma_semaphore, #tpu.memory_space<semaphore_mem>>)
    %dma_wait3A_239 = arith.constant 0 : i32
    %dma_wait3A_240 = arith.constant 0 : i32
    %dma_wait3A_241 = arith.constant 0 : i32
    %dma_wait3A_242 = arith.constant 0 : i32
    %dma_wait3A_243 = tpu.memref_slice %arg6[%dma_wait3A_239, %dma_wait3A_241, %dma_wait3A_242] : memref<4x800x32xf32, #tpu.memory_space<vmem>> -> memref<1x800x32xf32, #tpu.memory_space<vmem>>
    %dma_wait3A_244 = tpu.memref_squeeze %dma_wait3A_243 : memref<1x800x32xf32, #tpu.memory_space<vmem>> -> memref<800x32xf32, #tpu.memory_space<vmem>>
    %dma_wait3A_245 = arith.constant 3200 : i32
    %dma_wait3A_246 = tpu.memref_slice %arg5[%dma_wait3A_245] : memref<6400xi32, #tpu.memory_space<vmem>> -> memref<800xi32, #tpu.memory_space<vmem>>
    %dma_wait3A_247 = arith.constant 0 : i32
    %dma_wait3A_248 = arith.constant 0 : i32
    %dma_wait3A_249 = tpu.memref_slice %arg2[%dma_wait3A_247, %dma_wait3A_248] : memref<1000000x32xf32, #tpu.memory_space<hbm>> -> memref<1000000x32xf32, #tpu.memory_space<hbm>>
    %dma_wait3A_250 = tpu.memref_slice %arg7[%dma_wait3A_240] : memref<4x!tpu.dma_semaphore, #tpu.memory_space<semaphore_mem>> -> memref<1x!tpu.dma_semaphore, #tpu.memory_space<semaphore_mem>>
    %dma_wait3A_251 = tpu.memref_squeeze %dma_wait3A_250 : memref<1x!tpu.dma_semaphore, #tpu.memory_space<semaphore_mem>> -> memref<!tpu.dma_semaphore, #tpu.memory_space<semaphore_mem>>
    tpu.wait_indirect_dma semaphore(%dma_wait3A_251 : memref<!tpu.dma_semaphore, #tpu.memory_space<semaphore_mem>>) src(%dma_wait3A_249 : memref<1000000x32xf32, #tpu.memory_space<hbm>>) dst(%dma_wait3A_244 : memref<800x32xf32, #tpu.memory_space<vmem>>)
    %add3A_252 = arith.constant 3200 : i32
    %add3A_253 = arith.addi %mul3A_2, %add3A_252 : i32
    %dma_start3A_254 = arith.constant 0 : i32
    %dma_start3A_255 = arith.constant 0 : i32
    %dma_start3A_256 = arith.constant 0 : i32
    %dma_start3A_257 = arith.constant 0 : i32
    %dma_start3A_258 = tpu.memref_slice %arg6[%dma_start3A_254, %dma_start3A_256, %dma_start3A_257] : memref<4x800x32xf32, #tpu.memory_space<vmem>> -> memref<1x800x32xf32, #tpu.memory_space<vmem>>
    %dma_start3A_259 = tpu.memref_squeeze %dma_start3A_258 : memref<1x800x32xf32, #tpu.memory_space<vmem>> -> memref<800x32xf32, #tpu.memory_space<vmem>>
    %dma_start3A_260 = arith.constant 0 : i32
    %dma_start3A_261 = tpu.memref_slice %arg4[%add3A_253, %dma_start3A_260] : memref<204800x32xf32, #tpu.memory_space<hbm>> -> memref<800x32xf32, #tpu.memory_space<hbm>>
    %dma_start3A_262 = tpu.memref_slice %arg8[%dma_start3A_255] : memref<4x!tpu.dma_semaphore, #tpu.memory_space<semaphore_mem>> -> memref<1x!tpu.dma_semaphore, #tpu.memory_space<semaphore_mem>>
    %dma_start3A_263 = tpu.memref_squeeze %dma_start3A_262 : memref<1x!tpu.dma_semaphore, #tpu.memory_space<semaphore_mem>> -> memref<!tpu.dma_semaphore, #tpu.memory_space<semaphore_mem>>
    %dma_start3A_264 = arith.constant 0 : i32
    %dma_start3A_265 = tpu.memref_slice %arg4[%add3A_253, %dma_start3A_264] : memref<204800x32xf32, #tpu.memory_space<hbm>> -> memref<800x32xf32, #tpu.memory_space<hbm>>
    %dma_start3A_266 = arith.constant 0 : i32
    %dma_start3A_267 = arith.constant 0 : i32
    %dma_start3A_268 = tpu.memref_slice %arg6[%dma_start3A_254, %dma_start3A_266, %dma_start3A_267] : memref<4x800x32xf32, #tpu.memory_space<vmem>> -> memref<1x800x32xf32, #tpu.memory_space<vmem>>
    %dma_start3A_269 = tpu.memref_squeeze %dma_start3A_268 : memref<1x800x32xf32, #tpu.memory_space<vmem>> -> memref<800x32xf32, #tpu.memory_space<vmem>>
    tpu.enqueue_dma source(%dma_start3A_269 : memref<800x32xf32, #tpu.memory_space<vmem>>) target(%dma_start3A_265 : memref<800x32xf32, #tpu.memory_space<hbm>>) target_semaphore(%dma_start3A_263 : memref<!tpu.dma_semaphore, #tpu.memory_space<semaphore_mem>>)
    %add3A_270 = arith.constant 1600 : i32
    %add3A_271 = arith.addi %mul3A_2, %add3A_270 : i32
    %dma_wait3A_272 = arith.constant 2 : i32
    %dma_wait3A_273 = arith.constant 2 : i32
    %dma_wait3A_274 = arith.constant 0 : i32
    %dma_wait3A_275 = arith.constant 0 : i32
    %dma_wait3A_276 = tpu.memref_slice %arg6[%dma_wait3A_272, %dma_wait3A_274, %dma_wait3A_275] : memref<4x800x32xf32, #tpu.memory_space<vmem>> -> memref<1x800x32xf32, #tpu.memory_space<vmem>>
    %dma_wait3A_277 = tpu.memref_squeeze %dma_wait3A_276 : memref<1x800x32xf32, #tpu.memory_space<vmem>> -> memref<800x32xf32, #tpu.memory_space<vmem>>
    %dma_wait3A_278 = arith.constant 0 : i32
    %dma_wait3A_279 = tpu.memref_slice %arg4[%add3A_271, %dma_wait3A_278] : memref<204800x32xf32, #tpu.memory_space<hbm>> -> memref<800x32xf32, #tpu.memory_space<hbm>>
    %dma_wait3A_280 = tpu.memref_slice %arg8[%dma_wait3A_273] : memref<4x!tpu.dma_semaphore, #tpu.memory_space<semaphore_mem>> -> memref<1x!tpu.dma_semaphore, #tpu.memory_space<semaphore_mem>>
    %dma_wait3A_281 = tpu.memref_squeeze %dma_wait3A_280 : memref<1x!tpu.dma_semaphore, #tpu.memory_space<semaphore_mem>> -> memref<!tpu.dma_semaphore, #tpu.memory_space<semaphore_mem>>
    %dma_wait3A_282 = arith.constant 0 : i32
    %dma_wait3A_283 = tpu.memref_slice %arg4[%add3A_271, %dma_wait3A_282] : memref<204800x32xf32, #tpu.memory_space<hbm>> -> memref<800x32xf32, #tpu.memory_space<hbm>>
    %dma_wait3A_284 = arith.constant 0 : i32
    %dma_wait3A_285 = arith.constant 0 : i32
    %dma_wait3A_286 = tpu.memref_slice %arg6[%dma_wait3A_272, %dma_wait3A_284, %dma_wait3A_285] : memref<4x800x32xf32, #tpu.memory_space<vmem>> -> memref<1x800x32xf32, #tpu.memory_space<vmem>>
    %dma_wait3A_287 = tpu.memref_squeeze %dma_wait3A_286 : memref<1x800x32xf32, #tpu.memory_space<vmem>> -> memref<800x32xf32, #tpu.memory_space<vmem>>
    tpu.wait_dma2 semaphore(%dma_wait3A_281 : memref<!tpu.dma_semaphore, #tpu.memory_space<semaphore_mem>>) src(%dma_wait3A_287 : memref<800x32xf32, #tpu.memory_space<vmem>>) dst(%dma_wait3A_283 : memref<800x32xf32, #tpu.memory_space<hbm>>)
    %dma_start3A_288 = arith.constant 2 : i32
    %dma_start3A_289 = arith.constant 2 : i32
    %dma_start3A_290 = arith.constant 0 : i32
    %dma_start3A_291 = arith.constant 0 : i32
    %dma_start3A_292 = tpu.memref_slice %arg6[%dma_start3A_288, %dma_start3A_290, %dma_start3A_291] : memref<4x800x32xf32, #tpu.memory_space<vmem>> -> memref<1x800x32xf32, #tpu.memory_space<vmem>>
    %dma_start3A_293 = tpu.memref_squeeze %dma_start3A_292 : memref<1x800x32xf32, #tpu.memory_space<vmem>> -> memref<800x32xf32, #tpu.memory_space<vmem>>
    %dma_start3A_294 = arith.constant 4800 : i32
    %dma_start3A_295 = tpu.memref_slice %arg5[%dma_start3A_294] : memref<6400xi32, #tpu.memory_space<vmem>> -> memref<800xi32, #tpu.memory_space<vmem>>
    %dma_start3A_296 = arith.constant 0 : i32
    %dma_start3A_297 = arith.constant 0 : i32
    %dma_start3A_298 = tpu.memref_slice %arg2[%dma_start3A_296, %dma_start3A_297] : memref<1000000x32xf32, #tpu.memory_space<hbm>> -> memref<1000000x32xf32, #tpu.memory_space<hbm>>
    %dma_start3A_299 = tpu.memref_slice %arg7[%dma_start3A_289] : memref<4x!tpu.dma_semaphore, #tpu.memory_space<semaphore_mem>> -> memref<1x!tpu.dma_semaphore, #tpu.memory_space<semaphore_mem>>
    %dma_start3A_300 = tpu.memref_squeeze %dma_start3A_299 : memref<1x!tpu.dma_semaphore, #tpu.memory_space<semaphore_mem>> -> memref<!tpu.dma_semaphore, #tpu.memory_space<semaphore_mem>>
    tpu.enqueue_indirect_dma source(%dma_start3A_298 : memref<1000000x32xf32, #tpu.memory_space<hbm>>) target(%dma_start3A_293 : memref<800x32xf32, #tpu.memory_space<vmem>>) offsets(%dma_start3A_295 : memref<800xi32, #tpu.memory_space<vmem>>) semaphore(%dma_start3A_300 : memref<!tpu.dma_semaphore, #tpu.memory_space<semaphore_mem>>)
    %dma_wait3A_301 = arith.constant 1 : i32
    %dma_wait3A_302 = arith.constant 1 : i32
    %dma_wait3A_303 = arith.constant 0 : i32
    %dma_wait3A_304 = arith.constant 0 : i32
    %dma_wait3A_305 = tpu.memref_slice %arg6[%dma_wait3A_301, %dma_wait3A_303, %dma_wait3A_304] : memref<4x800x32xf32, #tpu.memory_space<vmem>> -> memref<1x800x32xf32, #tpu.memory_space<vmem>>
    %dma_wait3A_306 = tpu.memref_squeeze %dma_wait3A_305 : memref<1x800x32xf32, #tpu.memory_space<vmem>> -> memref<800x32xf32, #tpu.memory_space<vmem>>
    %dma_wait3A_307 = arith.constant 4000 : i32
    %dma_wait3A_308 = tpu.memref_slice %arg5[%dma_wait3A_307] : memref<6400xi32, #tpu.memory_space<vmem>> -> memref<800xi32, #tpu.memory_space<vmem>>
    %dma_wait3A_309 = arith.constant 0 : i32
    %dma_wait3A_310 = arith.constant 0 : i32
    %dma_wait3A_311 = tpu.memref_slice %arg2[%dma_wait3A_309, %dma_wait3A_310] : memref<1000000x32xf32, #tpu.memory_space<hbm>> -> memref<1000000x32xf32, #tpu.memory_space<hbm>>
    %dma_wait3A_312 = tpu.memref_slice %arg7[%dma_wait3A_302] : memref<4x!tpu.dma_semaphore, #tpu.memory_space<semaphore_mem>> -> memref<1x!tpu.dma_semaphore, #tpu.memory_space<semaphore_mem>>
    %dma_wait3A_313 = tpu.memref_squeeze %dma_wait3A_312 : memref<1x!tpu.dma_semaphore, #tpu.memory_space<semaphore_mem>> -> memref<!tpu.dma_semaphore, #tpu.memory_space<semaphore_mem>>
    tpu.wait_indirect_dma semaphore(%dma_wait3A_313 : memref<!tpu.dma_semaphore, #tpu.memory_space<semaphore_mem>>) src(%dma_wait3A_311 : memref<1000000x32xf32, #tpu.memory_space<hbm>>) dst(%dma_wait3A_306 : memref<800x32xf32, #tpu.memory_space<vmem>>)
    %add3A_314 = arith.constant 4000 : i32
    %add3A_315 = arith.addi %mul3A_2, %add3A_314 : i32
    %dma_start3A_316 = arith.constant 1 : i32
    %dma_start3A_317 = arith.constant 1 : i32
    %dma_start3A_318 = arith.constant 0 : i32
    %dma_start3A_319 = arith.constant 0 : i32
    %dma_start3A_320 = tpu.memref_slice %arg6[%dma_start3A_316, %dma_start3A_318, %dma_start3A_319] : memref<4x800x32xf32, #tpu.memory_space<vmem>> -> memref<1x800x32xf32, #tpu.memory_space<vmem>>
    %dma_start3A_321 = tpu.memref_squeeze %dma_start3A_320 : memref<1x800x32xf32, #tpu.memory_space<vmem>> -> memref<800x32xf32, #tpu.memory_space<vmem>>
    %dma_start3A_322 = arith.constant 0 : i32
    %dma_start3A_323 = tpu.memref_slice %arg4[%add3A_315, %dma_start3A_322] : memref<204800x32xf32, #tpu.memory_space<hbm>> -> memref<800x32xf32, #tpu.memory_space<hbm>>
    %dma_start3A_324 = tpu.memref_slice %arg8[%dma_start3A_317] : memref<4x!tpu.dma_semaphore, #tpu.memory_space<semaphore_mem>> -> memref<1x!tpu.dma_semaphore, #tpu.memory_space<semaphore_mem>>
    %dma_start3A_325 = tpu.memref_squeeze %dma_start3A_324 : memref<1x!tpu.dma_semaphore, #tpu.memory_space<semaphore_mem>> -> memref<!tpu.dma_semaphore, #tpu.memory_space<semaphore_mem>>
    %dma_start3A_326 = arith.constant 0 : i32
    %dma_start3A_327 = tpu.memref_slice %arg4[%add3A_315, %dma_start3A_326] : memref<204800x32xf32, #tpu.memory_space<hbm>> -> memref<800x32xf32, #tpu.memory_space<hbm>>
    %dma_start3A_328 = arith.constant 0 : i32
    %dma_start3A_329 = arith.constant 0 : i32
    %dma_start3A_330 = tpu.memref_slice %arg6[%dma_start3A_316, %dma_start3A_328, %dma_start3A_329] : memref<4x800x32xf32, #tpu.memory_space<vmem>> -> memref<1x800x32xf32, #tpu.memory_space<vmem>>
    %dma_start3A_331 = tpu.memref_squeeze %dma_start3A_330 : memref<1x800x32xf32, #tpu.memory_space<vmem>> -> memref<800x32xf32, #tpu.memory_space<vmem>>
    tpu.enqueue_dma source(%dma_start3A_331 : memref<800x32xf32, #tpu.memory_space<vmem>>) target(%dma_start3A_327 : memref<800x32xf32, #tpu.memory_space<hbm>>) target_semaphore(%dma_start3A_325 : memref<!tpu.dma_semaphore, #tpu.memory_space<semaphore_mem>>)
    %add3A_332 = arith.constant 2400 : i32
    %add3A_333 = arith.addi %mul3A_2, %add3A_332 : i32
    %dma_wait3A_334 = arith.constant 3 : i32
    %dma_wait3A_335 = arith.constant 3 : i32
    %dma_wait3A_336 = arith.constant 0 : i32
    %dma_wait3A_337 = arith.constant 0 : i32
    %dma_wait3A_338 = tpu.memref_slice %arg6[%dma_wait3A_334, %dma_wait3A_336, %dma_wait3A_337] : memref<4x800x32xf32, #tpu.memory_space<vmem>> -> memref<1x800x32xf32, #tpu.memory_space<vmem>>
    %dma_wait3A_339 = tpu.memref_squeeze %dma_wait3A_338 : memref<1x800x32xf32, #tpu.memory_space<vmem>> -> memref<800x32xf32, #tpu.memory_space<vmem>>
    %dma_wait3A_340 = arith.constant 0 : i32
    %dma_wait3A_341 = tpu.memref_slice %arg4[%add3A_333, %dma_wait3A_340] : memref<204800x32xf32, #tpu.memory_space<hbm>> -> memref<800x32xf32, #tpu.memory_space<hbm>>
    %dma_wait3A_342 = tpu.memref_slice %arg8[%dma_wait3A_335] : memref<4x!tpu.dma_semaphore, #tpu.memory_space<semaphore_mem>> -> memref<1x!tpu.dma_semaphore, #tpu.memory_space<semaphore_mem>>
    %dma_wait3A_343 = tpu.memref_squeeze %dma_wait3A_342 : memref<1x!tpu.dma_semaphore, #tpu.memory_space<semaphore_mem>> -> memref<!tpu.dma_semaphore, #tpu.memory_space<semaphore_mem>>
    %dma_wait3A_344 = arith.constant 0 : i32
    %dma_wait3A_345 = tpu.memref_slice %arg4[%add3A_333, %dma_wait3A_344] : memref<204800x32xf32, #tpu.memory_space<hbm>> -> memref<800x32xf32, #tpu.memory_space<hbm>>
    %dma_wait3A_346 = arith.constant 0 : i32
    %dma_wait3A_347 = arith.constant 0 : i32
    %dma_wait3A_348 = tpu.memref_slice %arg6[%dma_wait3A_334, %dma_wait3A_346, %dma_wait3A_347] : memref<4x800x32xf32, #tpu.memory_space<vmem>> -> memref<1x800x32xf32, #tpu.memory_space<vmem>>
    %dma_wait3A_349 = tpu.memref_squeeze %dma_wait3A_348 : memref<1x800x32xf32, #tpu.memory_space<vmem>> -> memref<800x32xf32, #tpu.memory_space<vmem>>
    tpu.wait_dma2 semaphore(%dma_wait3A_343 : memref<!tpu.dma_semaphore, #tpu.memory_space<semaphore_mem>>) src(%dma_wait3A_349 : memref<800x32xf32, #tpu.memory_space<vmem>>) dst(%dma_wait3A_345 : memref<800x32xf32, #tpu.memory_space<hbm>>)
    %dma_start3A_350 = arith.constant 3 : i32
    %dma_start3A_351 = arith.constant 3 : i32
    %dma_start3A_352 = arith.constant 0 : i32
    %dma_start3A_353 = arith.constant 0 : i32
    %dma_start3A_354 = tpu.memref_slice %arg6[%dma_start3A_350, %dma_start3A_352, %dma_start3A_353] : memref<4x800x32xf32, #tpu.memory_space<vmem>> -> memref<1x800x32xf32, #tpu.memory_space<vmem>>
    %dma_start3A_355 = tpu.memref_squeeze %dma_start3A_354 : memref<1x800x32xf32, #tpu.memory_space<vmem>> -> memref<800x32xf32, #tpu.memory_space<vmem>>
    %dma_start3A_356 = arith.constant 5600 : i32
    %dma_start3A_357 = tpu.memref_slice %arg5[%dma_start3A_356] : memref<6400xi32, #tpu.memory_space<vmem>> -> memref<800xi32, #tpu.memory_space<vmem>>
    %dma_start3A_358 = arith.constant 0 : i32
    %dma_start3A_359 = arith.constant 0 : i32
    %dma_start3A_360 = tpu.memref_slice %arg2[%dma_start3A_358, %dma_start3A_359] : memref<1000000x32xf32, #tpu.memory_space<hbm>> -> memref<1000000x32xf32, #tpu.memory_space<hbm>>
    %dma_start3A_361 = tpu.memref_slice %arg7[%dma_start3A_351] : memref<4x!tpu.dma_semaphore, #tpu.memory_space<semaphore_mem>> -> memref<1x!tpu.dma_semaphore, #tpu.memory_space<semaphore_mem>>
    %dma_start3A_362 = tpu.memref_squeeze %dma_start3A_361 : memref<1x!tpu.dma_semaphore, #tpu.memory_space<semaphore_mem>> -> memref<!tpu.dma_semaphore, #tpu.memory_space<semaphore_mem>>
    tpu.enqueue_indirect_dma source(%dma_start3A_360 : memref<1000000x32xf32, #tpu.memory_space<hbm>>) target(%dma_start3A_355 : memref<800x32xf32, #tpu.memory_space<vmem>>) offsets(%dma_start3A_357 : memref<800xi32, #tpu.memory_space<vmem>>) semaphore(%dma_start3A_362 : memref<!tpu.dma_semaphore, #tpu.memory_space<semaphore_mem>>)
    %dma_wait3A_363 = arith.constant 2 : i32
    %dma_wait3A_364 = arith.constant 2 : i32
    %dma_wait3A_365 = arith.constant 0 : i32
    %dma_wait3A_366 = arith.constant 0 : i32
    %dma_wait3A_367 = tpu.memref_slice %arg6[%dma_wait3A_363, %dma_wait3A_365, %dma_wait3A_366] : memref<4x800x32xf32, #tpu.memory_space<vmem>> -> memref<1x800x32xf32, #tpu.memory_space<vmem>>
    %dma_wait3A_368 = tpu.memref_squeeze %dma_wait3A_367 : memref<1x800x32xf32, #tpu.memory_space<vmem>> -> memref<800x32xf32, #tpu.memory_space<vmem>>
    %dma_wait3A_369 = arith.constant 4800 : i32
    %dma_wait3A_370 = tpu.memref_slice %arg5[%dma_wait3A_369] : memref<6400xi32, #tpu.memory_space<vmem>> -> memref<800xi32, #tpu.memory_space<vmem>>
    %dma_wait3A_371 = arith.constant 0 : i32
    %dma_wait3A_372 = arith.constant 0 : i32
    %dma_wait3A_373 = tpu.memref_slice %arg2[%dma_wait3A_371, %dma_wait3A_372] : memref<1000000x32xf32, #tpu.memory_space<hbm>> -> memref<1000000x32xf32, #tpu.memory_space<hbm>>
    %dma_wait3A_374 = tpu.memref_slice %arg7[%dma_wait3A_364] : memref<4x!tpu.dma_semaphore, #tpu.memory_space<semaphore_mem>> -> memref<1x!tpu.dma_semaphore, #tpu.memory_space<semaphore_mem>>
    %dma_wait3A_375 = tpu.memref_squeeze %dma_wait3A_374 : memref<1x!tpu.dma_semaphore, #tpu.memory_space<semaphore_mem>> -> memref<!tpu.dma_semaphore, #tpu.memory_space<semaphore_mem>>
    tpu.wait_indirect_dma semaphore(%dma_wait3A_375 : memref<!tpu.dma_semaphore, #tpu.memory_space<semaphore_mem>>) src(%dma_wait3A_373 : memref<1000000x32xf32, #tpu.memory_space<hbm>>) dst(%dma_wait3A_368 : memref<800x32xf32, #tpu.memory_space<vmem>>)
    %add3A_376 = arith.constant 4800 : i32
    %add3A_377 = arith.addi %mul3A_2, %add3A_376 : i32
    %dma_start3A_378 = arith.constant 2 : i32
    %dma_start3A_379 = arith.constant 2 : i32
    %dma_start3A_380 = arith.constant 0 : i32
    %dma_start3A_381 = arith.constant 0 : i32
    %dma_start3A_382 = tpu.memref_slice %arg6[%dma_start3A_378, %dma_start3A_380, %dma_start3A_381] : memref<4x800x32xf32, #tpu.memory_space<vmem>> -> memref<1x800x32xf32, #tpu.memory_space<vmem>>
    %dma_start3A_383 = tpu.memref_squeeze %dma_start3A_382 : memref<1x800x32xf32, #tpu.memory_space<vmem>> -> memref<800x32xf32, #tpu.memory_space<vmem>>
    %dma_start3A_384 = arith.constant 0 : i32
    %dma_start3A_385 = tpu.memref_slice %arg4[%add3A_377, %dma_start3A_384] : memref<204800x32xf32, #tpu.memory_space<hbm>> -> memref<800x32xf32, #tpu.memory_space<hbm>>
    %dma_start3A_386 = tpu.memref_slice %arg8[%dma_start3A_379] : memref<4x!tpu.dma_semaphore, #tpu.memory_space<semaphore_mem>> -> memref<1x!tpu.dma_semaphore, #tpu.memory_space<semaphore_mem>>
    %dma_start3A_387 = tpu.memref_squeeze %dma_start3A_386 : memref<1x!tpu.dma_semaphore, #tpu.memory_space<semaphore_mem>> -> memref<!tpu.dma_semaphore, #tpu.memory_space<semaphore_mem>>
    %dma_start3A_388 = arith.constant 0 : i32
    %dma_start3A_389 = tpu.memref_slice %arg4[%add3A_377, %dma_start3A_388] : memref<204800x32xf32, #tpu.memory_space<hbm>> -> memref<800x32xf32, #tpu.memory_space<hbm>>
    %dma_start3A_390 = arith.constant 0 : i32
    %dma_start3A_391 = arith.constant 0 : i32
    %dma_start3A_392 = tpu.memref_slice %arg6[%dma_start3A_378, %dma_start3A_390, %dma_start3A_391] : memref<4x800x32xf32, #tpu.memory_space<vmem>> -> memref<1x800x32xf32, #tpu.memory_space<vmem>>
    %dma_start3A_393 = tpu.memref_squeeze %dma_start3A_392 : memref<1x800x32xf32, #tpu.memory_space<vmem>> -> memref<800x32xf32, #tpu.memory_space<vmem>>
    tpu.enqueue_dma source(%dma_start3A_393 : memref<800x32xf32, #tpu.memory_space<vmem>>) target(%dma_start3A_389 : memref<800x32xf32, #tpu.memory_space<hbm>>) target_semaphore(%dma_start3A_387 : memref<!tpu.dma_semaphore, #tpu.memory_space<semaphore_mem>>)
    %dma_wait3A_394 = arith.constant 3 : i32
    %dma_wait3A_395 = arith.constant 3 : i32
    %dma_wait3A_396 = arith.constant 0 : i32
    %dma_wait3A_397 = arith.constant 0 : i32
    %dma_wait3A_398 = tpu.memref_slice %arg6[%dma_wait3A_394, %dma_wait3A_396, %dma_wait3A_397] : memref<4x800x32xf32, #tpu.memory_space<vmem>> -> memref<1x800x32xf32, #tpu.memory_space<vmem>>
    %dma_wait3A_399 = tpu.memref_squeeze %dma_wait3A_398 : memref<1x800x32xf32, #tpu.memory_space<vmem>> -> memref<800x32xf32, #tpu.memory_space<vmem>>
    %dma_wait3A_400 = arith.constant 5600 : i32
    %dma_wait3A_401 = tpu.memref_slice %arg5[%dma_wait3A_400] : memref<6400xi32, #tpu.memory_space<vmem>> -> memref<800xi32, #tpu.memory_space<vmem>>
    %dma_wait3A_402 = arith.constant 0 : i32
    %dma_wait3A_403 = arith.constant 0 : i32
    %dma_wait3A_404 = tpu.memref_slice %arg2[%dma_wait3A_402, %dma_wait3A_403] : memref<1000000x32xf32, #tpu.memory_space<hbm>> -> memref<1000000x32xf32, #tpu.memory_space<hbm>>
    %dma_wait3A_405 = tpu.memref_slice %arg7[%dma_wait3A_395] : memref<4x!tpu.dma_semaphore, #tpu.memory_space<semaphore_mem>> -> memref<1x!tpu.dma_semaphore, #tpu.memory_space<semaphore_mem>>
    %dma_wait3A_406 = tpu.memref_squeeze %dma_wait3A_405 : memref<1x!tpu.dma_semaphore, #tpu.memory_space<semaphore_mem>> -> memref<!tpu.dma_semaphore, #tpu.memory_space<semaphore_mem>>
    tpu.wait_indirect_dma semaphore(%dma_wait3A_406 : memref<!tpu.dma_semaphore, #tpu.memory_space<semaphore_mem>>) src(%dma_wait3A_404 : memref<1000000x32xf32, #tpu.memory_space<hbm>>) dst(%dma_wait3A_399 : memref<800x32xf32, #tpu.memory_space<vmem>>)
    %add3A_407 = arith.constant 5600 : i32
    %add3A_408 = arith.addi %mul3A_2, %add3A_407 : i32
    %dma_start3A_409 = arith.constant 3 : i32
    %dma_start3A_410 = arith.constant 3 : i32
    %dma_start3A_411 = arith.constant 0 : i32
    %dma_start3A_412 = arith.constant 0 : i32
    %dma_start3A_413 = tpu.memref_slice %arg6[%dma_start3A_409, %dma_start3A_411, %dma_start3A_412] : memref<4x800x32xf32, #tpu.memory_space<vmem>> -> memref<1x800x32xf32, #tpu.memory_space<vmem>>
    %dma_start3A_414 = tpu.memref_squeeze %dma_start3A_413 : memref<1x800x32xf32, #tpu.memory_space<vmem>> -> memref<800x32xf32, #tpu.memory_space<vmem>>
    %dma_start3A_415 = arith.constant 0 : i32
    %dma_start3A_416 = tpu.memref_slice %arg4[%add3A_408, %dma_start3A_415] : memref<204800x32xf32, #tpu.memory_space<hbm>> -> memref<800x32xf32, #tpu.memory_space<hbm>>
    %dma_start3A_417 = tpu.memref_slice %arg8[%dma_start3A_410] : memref<4x!tpu.dma_semaphore, #tpu.memory_space<semaphore_mem>> -> memref<1x!tpu.dma_semaphore, #tpu.memory_space<semaphore_mem>>
    %dma_start3A_418 = tpu.memref_squeeze %dma_start3A_417 : memref<1x!tpu.dma_semaphore, #tpu.memory_space<semaphore_mem>> -> memref<!tpu.dma_semaphore, #tpu.memory_space<semaphore_mem>>
    %dma_start3A_419 = arith.constant 0 : i32
    %dma_start3A_420 = tpu.memref_slice %arg4[%add3A_408, %dma_start3A_419] : memref<204800x32xf32, #tpu.memory_space<hbm>> -> memref<800x32xf32, #tpu.memory_space<hbm>>
    %dma_start3A_421 = arith.constant 0 : i32
    %dma_start3A_422 = arith.constant 0 : i32
    %dma_start3A_423 = tpu.memref_slice %arg6[%dma_start3A_409, %dma_start3A_421, %dma_start3A_422] : memref<4x800x32xf32, #tpu.memory_space<vmem>> -> memref<1x800x32xf32, #tpu.memory_space<vmem>>
    %dma_start3A_424 = tpu.memref_squeeze %dma_start3A_423 : memref<1x800x32xf32, #tpu.memory_space<vmem>> -> memref<800x32xf32, #tpu.memory_space<vmem>>
    tpu.enqueue_dma source(%dma_start3A_424 : memref<800x32xf32, #tpu.memory_space<vmem>>) target(%dma_start3A_420 : memref<800x32xf32, #tpu.memory_space<hbm>>) target_semaphore(%dma_start3A_418 : memref<!tpu.dma_semaphore, #tpu.memory_space<semaphore_mem>>)
    %add3A_425 = arith.constant 3200 : i32
    %add3A_426 = arith.addi %mul3A_2, %add3A_425 : i32
    %dma_wait3A_427 = arith.constant 0 : i32
    %dma_wait3A_428 = arith.constant 0 : i32
    %dma_wait3A_429 = arith.constant 0 : i32
    %dma_wait3A_430 = arith.constant 0 : i32
    %dma_wait3A_431 = tpu.memref_slice %arg6[%dma_wait3A_427, %dma_wait3A_429, %dma_wait3A_430] : memref<4x800x32xf32, #tpu.memory_space<vmem>> -> memref<1x800x32xf32, #tpu.memory_space<vmem>>
    %dma_wait3A_432 = tpu.memref_squeeze %dma_wait3A_431 : memref<1x800x32xf32, #tpu.memory_space<vmem>> -> memref<800x32xf32, #tpu.memory_space<vmem>>
    %dma_wait3A_433 = arith.constant 0 : i32
    %dma_wait3A_434 = tpu.memref_slice %arg4[%add3A_426, %dma_wait3A_433] : memref<204800x32xf32, #tpu.memory_space<hbm>> -> memref<800x32xf32, #tpu.memory_space<hbm>>
    %dma_wait3A_435 = tpu.memref_slice %arg8[%dma_wait3A_428] : memref<4x!tpu.dma_semaphore, #tpu.memory_space<semaphore_mem>> -> memref<1x!tpu.dma_semaphore, #tpu.memory_space<semaphore_mem>>
    %dma_wait3A_436 = tpu.memref_squeeze %dma_wait3A_435 : memref<1x!tpu.dma_semaphore, #tpu.memory_space<semaphore_mem>> -> memref<!tpu.dma_semaphore, #tpu.memory_space<semaphore_mem>>
    %dma_wait3A_437 = arith.constant 0 : i32
    %dma_wait3A_438 = tpu.memref_slice %arg4[%add3A_426, %dma_wait3A_437] : memref<204800x32xf32, #tpu.memory_space<hbm>> -> memref<800x32xf32, #tpu.memory_space<hbm>>
    %dma_wait3A_439 = arith.constant 0 : i32
    %dma_wait3A_440 = arith.constant 0 : i32
    %dma_wait3A_441 = tpu.memref_slice %arg6[%dma_wait3A_427, %dma_wait3A_439, %dma_wait3A_440] : memref<4x800x32xf32, #tpu.memory_space<vmem>> -> memref<1x800x32xf32, #tpu.memory_space<vmem>>
    %dma_wait3A_442 = tpu.memref_squeeze %dma_wait3A_441 : memref<1x800x32xf32, #tpu.memory_space<vmem>> -> memref<800x32xf32, #tpu.memory_space<vmem>>
    tpu.wait_dma2 semaphore(%dma_wait3A_436 : memref<!tpu.dma_semaphore, #tpu.memory_space<semaphore_mem>>) src(%dma_wait3A_442 : memref<800x32xf32, #tpu.memory_space<vmem>>) dst(%dma_wait3A_438 : memref<800x32xf32, #tpu.memory_space<hbm>>)
    %add3A_443 = arith.constant 4000 : i32
    %add3A_444 = arith.addi %mul3A_2, %add3A_443 : i32
    %dma_wait3A_445 = arith.constant 1 : i32
    %dma_wait3A_446 = arith.constant 1 : i32
    %dma_wait3A_447 = arith.constant 0 : i32
    %dma_wait3A_448 = arith.constant 0 : i32
    %dma_wait3A_449 = tpu.memref_slice %arg6[%dma_wait3A_445, %dma_wait3A_447, %dma_wait3A_448] : memref<4x800x32xf32, #tpu.memory_space<vmem>> -> memref<1x800x32xf32, #tpu.memory_space<vmem>>
    %dma_wait3A_450 = tpu.memref_squeeze %dma_wait3A_449 : memref<1x800x32xf32, #tpu.memory_space<vmem>> -> memref<800x32xf32, #tpu.memory_space<vmem>>
    %dma_wait3A_451 = arith.constant 0 : i32
    %dma_wait3A_452 = tpu.memref_slice %arg4[%add3A_444, %dma_wait3A_451] : memref<204800x32xf32, #tpu.memory_space<hbm>> -> memref<800x32xf32, #tpu.memory_space<hbm>>
    %dma_wait3A_453 = tpu.memref_slice %arg8[%dma_wait3A_446] : memref<4x!tpu.dma_semaphore, #tpu.memory_space<semaphore_mem>> -> memref<1x!tpu.dma_semaphore, #tpu.memory_space<semaphore_mem>>
    %dma_wait3A_454 = tpu.memref_squeeze %dma_wait3A_453 : memref<1x!tpu.dma_semaphore, #tpu.memory_space<semaphore_mem>> -> memref<!tpu.dma_semaphore, #tpu.memory_space<semaphore_mem>>
    %dma_wait3A_455 = arith.constant 0 : i32
    %dma_wait3A_456 = tpu.memref_slice %arg4[%add3A_444, %dma_wait3A_455] : memref<204800x32xf32, #tpu.memory_space<hbm>> -> memref<800x32xf32, #tpu.memory_space<hbm>>
    %dma_wait3A_457 = arith.constant 0 : i32
    %dma_wait3A_458 = arith.constant 0 : i32
    %dma_wait3A_459 = tpu.memref_slice %arg6[%dma_wait3A_445, %dma_wait3A_457, %dma_wait3A_458] : memref<4x800x32xf32, #tpu.memory_space<vmem>> -> memref<1x800x32xf32, #tpu.memory_space<vmem>>
    %dma_wait3A_460 = tpu.memref_squeeze %dma_wait3A_459 : memref<1x800x32xf32, #tpu.memory_space<vmem>> -> memref<800x32xf32, #tpu.memory_space<vmem>>
    tpu.wait_dma2 semaphore(%dma_wait3A_454 : memref<!tpu.dma_semaphore, #tpu.memory_space<semaphore_mem>>) src(%dma_wait3A_460 : memref<800x32xf32, #tpu.memory_space<vmem>>) dst(%dma_wait3A_456 : memref<800x32xf32, #tpu.memory_space<hbm>>)
    %add3A_461 = arith.constant 4800 : i32
    %add3A_462 = arith.addi %mul3A_2, %add3A_461 : i32
    %dma_wait3A_463 = arith.constant 2 : i32
    %dma_wait3A_464 = arith.constant 2 : i32
    %dma_wait3A_465 = arith.constant 0 : i32
    %dma_wait3A_466 = arith.constant 0 : i32
    %dma_wait3A_467 = tpu.memref_slice %arg6[%dma_wait3A_463, %dma_wait3A_465, %dma_wait3A_466] : memref<4x800x32xf32, #tpu.memory_space<vmem>> -> memref<1x800x32xf32, #tpu.memory_space<vmem>>
    %dma_wait3A_468 = tpu.memref_squeeze %dma_wait3A_467 : memref<1x800x32xf32, #tpu.memory_space<vmem>> -> memref<800x32xf32, #tpu.memory_space<vmem>>
    %dma_wait3A_469 = arith.constant 0 : i32
    %dma_wait3A_470 = tpu.memref_slice %arg4[%add3A_462, %dma_wait3A_469] : memref<204800x32xf32, #tpu.memory_space<hbm>> -> memref<800x32xf32, #tpu.memory_space<hbm>>
    %dma_wait3A_471 = tpu.memref_slice %arg8[%dma_wait3A_464] : memref<4x!tpu.dma_semaphore, #tpu.memory_space<semaphore_mem>> -> memref<1x!tpu.dma_semaphore, #tpu.memory_space<semaphore_mem>>
    %dma_wait3A_472 = tpu.memref_squeeze %dma_wait3A_471 : memref<1x!tpu.dma_semaphore, #tpu.memory_space<semaphore_mem>> -> memref<!tpu.dma_semaphore, #tpu.memory_space<semaphore_mem>>
    %dma_wait3A_473 = arith.constant 0 : i32
    %dma_wait3A_474 = tpu.memref_slice %arg4[%add3A_462, %dma_wait3A_473] : memref<204800x32xf32, #tpu.memory_space<hbm>> -> memref<800x32xf32, #tpu.memory_space<hbm>>
    %dma_wait3A_475 = arith.constant 0 : i32
    %dma_wait3A_476 = arith.constant 0 : i32
    %dma_wait3A_477 = tpu.memref_slice %arg6[%dma_wait3A_463, %dma_wait3A_475, %dma_wait3A_476] : memref<4x800x32xf32, #tpu.memory_space<vmem>> -> memref<1x800x32xf32, #tpu.memory_space<vmem>>
    %dma_wait3A_478 = tpu.memref_squeeze %dma_wait3A_477 : memref<1x800x32xf32, #tpu.memory_space<vmem>> -> memref<800x32xf32, #tpu.memory_space<vmem>>
    tpu.wait_dma2 semaphore(%dma_wait3A_472 : memref<!tpu.dma_semaphore, #tpu.memory_space<semaphore_mem>>) src(%dma_wait3A_478 : memref<800x32xf32, #tpu.memory_space<vmem>>) dst(%dma_wait3A_474 : memref<800x32xf32, #tpu.memory_space<hbm>>)
    %add3A_479 = arith.constant 5600 : i32
    %add3A_480 = arith.addi %mul3A_2, %add3A_479 : i32
    %dma_wait3A_481 = arith.constant 3 : i32
    %dma_wait3A_482 = arith.constant 3 : i32
    %dma_wait3A_483 = arith.constant 0 : i32
    %dma_wait3A_484 = arith.constant 0 : i32
    %dma_wait3A_485 = tpu.memref_slice %arg6[%dma_wait3A_481, %dma_wait3A_483, %dma_wait3A_484] : memref<4x800x32xf32, #tpu.memory_space<vmem>> -> memref<1x800x32xf32, #tpu.memory_space<vmem>>
    %dma_wait3A_486 = tpu.memref_squeeze %dma_wait3A_485 : memref<1x800x32xf32, #tpu.memory_space<vmem>> -> memref<800x32xf32, #tpu.memory_space<vmem>>
    %dma_wait3A_487 = arith.constant 0 : i32
    %dma_wait3A_488 = tpu.memref_slice %arg4[%add3A_480, %dma_wait3A_487] : memref<204800x32xf32, #tpu.memory_space<hbm>> -> memref<800x32xf32, #tpu.memory_space<hbm>>
    %dma_wait3A_489 = tpu.memref_slice %arg8[%dma_wait3A_482] : memref<4x!tpu.dma_semaphore, #tpu.memory_space<semaphore_mem>> -> memref<1x!tpu.dma_semaphore, #tpu.memory_space<semaphore_mem>>
    %dma_wait3A_490 = tpu.memref_squeeze %dma_wait3A_489 : memref<1x!tpu.dma_semaphore, #tpu.memory_space<semaphore_mem>> -> memref<!tpu.dma_semaphore, #tpu.memory_space<semaphore_mem>>
    %dma_wait3A_491 = arith.constant 0 : i32
    %dma_wait3A_492 = tpu.memref_slice %arg4[%add3A_480, %dma_wait3A_491] : memref<204800x32xf32, #tpu.memory_space<hbm>> -> memref<800x32xf32, #tpu.memory_space<hbm>>
    %dma_wait3A_493 = arith.constant 0 : i32
    %dma_wait3A_494 = arith.constant 0 : i32
    %dma_wait3A_495 = tpu.memref_slice %arg6[%dma_wait3A_481, %dma_wait3A_493, %dma_wait3A_494] : memref<4x800x32xf32, #tpu.memory_space<vmem>> -> memref<1x800x32xf32, #tpu.memory_space<vmem>>
    %dma_wait3A_496 = tpu.memref_squeeze %dma_wait3A_495 : memref<1x800x32xf32, #tpu.memory_space<vmem>> -> memref<800x32xf32, #tpu.memory_space<vmem>>
    tpu.wait_dma2 semaphore(%dma_wait3A_490 : memref<!tpu.dma_semaphore, #tpu.memory_space<semaphore_mem>>) src(%dma_wait3A_496 : memref<800x32xf32, #tpu.memory_space<vmem>>) dst(%dma_wait3A_492 : memref<800x32xf32, #tpu.memory_space<hbm>>)
    return
  }
}

</mosaic_0001>

<sc_bundles>
// kernel: kernel.3.cloned.1.call-start
scs
__scs_entry_jumppad:
0x0: {  	(pc) =	sbr.rel $0x88, $3  }
0x1: {  	(tag) =	ssettag $0x0;
	lr =	simm.s32 $0x1  }
0x2: {  	[smem:$0x3F9F] =	sst lr;
	_ =	strace $0xD0000000  }
0x3: {  	_ = 	snop  }
0x4: {  	_ = 	snop  }
0x5: {  	_ = 	snop  }
0x6: {  	_ = 	snop  }
0x7: {  	_ = 	snop  }
__scs_overlays_trampoline_lowered:
0x8: {  	[smem:$0x3FAE] =	sst s0  }
0x9: {  	[smem:$0x3FAF] =	sst s1  }
0xa: {  	[smem:$0x3FB0] =	sst s2  }
0xb: {  	[smem:$0x3FB1] =	sst s3  }
0xc: {  	[smem:$0x3FB2] =	sst s4  }
0xd: {  	[smem:$0x3FB3] =	sst s5  }
0xe: {  	[smem:$0x3FB4] =	sst s6  }
0xf: {  	[smem:$0x3FB5] =	sst s7  }
0x10: {  	[smem:$0x3FB6] =	sst s8  }
0x11: {  	[smem:$0x3FB7] =	sst s9;
	s0 =	simm.s32 @!p0 $0x0  }
0x12: {  	s1 =	sld [smem:$0x3F9D];
	s0 =	simm.s32 @p0 $0x1  }
0x13: {  	[smem:$0x3FB8] =	sst s0;
	s0 =	simm.s32 @!p1 $0x0  }
0x14: {  	s2 =	sld [smem:$0x3F9C];
	s0 =	simm.s32 @p1 $0x1  }
0x15: {  	[smem:$0x3FB9] =	sst s0;
	s0 =	simm.s32 @!p2 $0x0  }
0x16: {  	s3 =	sld [smem:$0x3FDB];
	s0 =	simm.s32 @p2 $0x1  }
0x17: {  	s4 =	simm.s32 $0x1BF5;
	[smem:$0x3FBB] =	sst s0  }
0x18: {  	s0 =	sld [smem:$0x3F9E];
	_ =	swait.ge [sflag:s4], $0x0  }
0x19: {  	s7 =	sld [smem:$0x3F9F]  }
0x1a: {  	s8 =	sadd.s32 $0xFFFFE003, lr  }
0x1b: {  	s9 =	sadd.s32 $0xFFFFFEF7, lr;
	s5 =	simm.s32 $0xFFFFFFFF;
	p2 =	slt.u32 s8, $0xFFFFF086  }
0x1c: {  	p1 =	slt.u32 s9, $0xF7A;
	s5 =	simm.s32 @!p2 $0x0  }
0x1d: {  	s5 =	simm.s32 @p1 $0x1;
	p0 =	seq.s32 s7, s2  }
0x1e: {  	s7 =	smul.u32 @!p0 $0xF7A, s2;
	p2 =	seq.s32 @!p0 s5, $0x0  }
0x1f: {  	s9 =	smul.u32 $0xF7A, s1;
	s8 =	simm.s32 @!p0 $0x1BF5;
	p2 =	por !p2, p0  }
0x20: {  	[sflag:s8] =	ssyncset.s32 @!p0 $0xFFFFF086;
	s6 =	sadd.s32 @!p0 s3, s7;
	s7 =	simm.s32 @!p0 $0x108  }
0x21: {  	s3 =	sadd.s32 s3, s9;
	s6 =	sadd.s32 @!p0 $0x88, s6;
	s7 =	simm.s32 @p2 $0x1082  }
0x22: {  	[simem:s7], [sflag:s8] =	dma.local @!p0 [hbm:s6], $0xF7A  }
0x23: {  	s9 =	sor.u32 $0xD0000000, s2;
	s6 =	simm.s32 $0x108;
	_ =	swait.ge @!p0 [sflag:s8], $0x0  }
0x24: {  	s3 =	sadd.s32 $0x88, s3;
	s6 =	simm.s32 @!p1 $0x1082;
	[sflag:s4] =	ssyncset.s32 $0xFFFFF086  }
0x25: {  	[simem:s6], [sflag:s4] =	dma.local [hbm:s3], $0xF7A  }
0x26: {  	[smem:$0x3F9F] =	sst s1;
	(tag) =	ssettag s2;
	_ =	strace s9  }
0x27: {  	s1 =	sld [smem:$0x3FAF]  }
0x28: {  	s2 =	sld [smem:$0x3FB0]  }
0x29: {  	s4 =	sld [smem:$0x3FB2]  }
0x2a: {  	p0 =	seq.s32 s5, $0x0;
	s5 =	sld [smem:$0x3FB3]  }
0x2b: {  	s6 =	sld [smem:$0x3FB4]  }
0x2c: {  	s7 =	sld [smem:$0x3FB5]  }
0x2d: {  	s3 =	simm.s32 $0x108;
	s8 =	sld [smem:$0x3FB6]  }
0x2e: {  	s3 =	simm.s32 @!p0 $0x1082;
	s9 =	sld [smem:$0x3FB7]  }
0x2f: {  	lr =	sadd.s32 s0, s3;
	s0 =	sld [smem:$0x3FAE]  }
0x30: {  	s3 =	sld [smem:$0x3FB1]  }
0x31: {  	[smem:$0x3FBA] =	sst s10  }
0x32: {  	s10 =	sld [smem:$0x3FB8];
	_ =	sdelay $0x3  }
0x33: {  	p0 =	seq.s32 s10, $0x1;
	s10 =	sld [smem:$0x3FBA];
	_ =	sdelay $0x3  }
0x34: {  	[smem:$0x3FBA] =	sst s10  }
0x35: {  	s10 =	sld [smem:$0x3FB9];
	_ =	sdelay $0x3  }
0x36: {  	p1 =	seq.s32 s10, $0x1;
	s10 =	sld [smem:$0x3FBA];
	_ =	sdelay $0x3  }
0x37: {  	[smem:$0x3FBA] =	sst s10  }
0x38: {  	s10 =	sld [smem:$0x3FBB]  }
0x39: {  	_ = 	snop;
	(pc) =	sbr.ind lr, $3  }
0x3a: {  	_ = 	snop  }
0x3b: {  	_ = 	snop  }
0x3c: {  	p2 =	seq.s32 s10, $0x1;
	s10 =	sld [smem:$0x3FBA]  }
0x3d: {  	_ =	shalt  }
0x3e: {  	_ =	shalt  }
0x3f: {  	_ =	shalt  }
0x40: {  	_ =	shalt  }
0x41: {  	_ =	shalt  }
0x42: {  	_ =	shalt  }
0x43: {  	_ =	shalt  }
0x44: {  	_ =	shalt  }
0x45: {  	_ =	shalt  }
0x46: {  	_ =	shalt  }
0x47: {  	_ =	shalt  }
0x48: {  	_ =	shalt  }
0x49: {  	_ =	shalt  }
0x4a: {  	_ =	shalt  }
0x4b: {  	_ =	shalt  }
0x4c: {  	_ =	shalt  }
0x4d: {  	_ =	shalt  }
0x4e: {  	_ =	shalt  }
0x4f: {  	_ =	shalt  }
0x50: {  	_ =	shalt  }
0x51: {  	_ =	shalt  }
0x52: {  	_ =	shalt  }
0x53: {  	_ =	shalt  }
0x54: {  	_ =	shalt  }
0x55: {  	_ =	shalt  }
0x56: {  	_ =	shalt  }
0x57: {  	_ =	shalt  }
0x58: {  	_ =	shalt  }
0x59: {  	_ =	shalt  }
0x5a: {  	_ =	shalt  }
0x5b: {  	_ =	shalt  }
0x5c: {  	_ =	shalt  }
0x5d: {  	_ =	shalt  }
0x5e: {  	_ =	shalt  }
0x5f: {  	_ =	shalt  }
0x60: {  	_ =	shalt  }
0x61: {  	_ =	shalt  }
0x62: {  	_ =	shalt  }
0x63: {  	_ =	shalt  }
0x64: {  	_ =	shalt  }
0x65: {  	_ =	shalt  }
0x66: {  	_ =	shalt  }
0x67: {  	_ =	shalt  }
0x68: {  	_ =	shalt  }
0x69: {  	_ =	shalt  }
0x6a: {  	_ =	shalt  }
0x6b: {  	_ =	shalt  }
0x6c: {  	_ =	shalt  }
0x6d: {  	_ =	shalt  }
0x6e: {  	_ =	shalt  }
0x6f: {  	_ =	shalt  }
0x70: {  	_ =	shalt  }
0x71: {  	_ =	shalt  }
0x72: {  	_ =	shalt  }
0x73: {  	_ =	shalt  }
0x74: {  	_ =	shalt  }
0x75: {  	_ =	shalt  }
0x76: {  	_ =	shalt  }
0x77: {  	_ =	shalt  }
0x78: {  	_ =	shalt  }
0x79: {  	_ =	shalt  }
0x7a: {  	_ =	shalt  }
0x7b: {  	_ =	shalt  }
0x7c: {  	_ =	shalt  }
0x7d: {  	_ =	shalt  }
0x7e: {  	_ =	shalt  }
0x7f: {  	_ =	shalt  }
0x80: {  	_ =	shalt  }
0x81: {  	_ =	shalt  }
0x82: {  	_ =	shalt  }
0x83: {  	_ =	shalt  }
0x84: {  	_ =	shalt  }
0x85: {  	_ =	shalt  }
0x86: {  	_ =	shalt  }
0x87: {  	_ =	shalt  }
.Lfunc_end0:
.L_simem_size_0:
called_computation_lowered:
.L_overlay_start_0:
0x88: {  	s2 =	sld [smem:$0x3FD9]  }
0x89: {  	s3 =	sld [smem:$0x3FFE];
	_ =	sdelay $0x1  }
0x8a: {  	s1 =	srdreg.scid  }
0x8b: {  	s0 =	sand.u32 $0x1, s1  }
0x8c: {  	s17 =	sshll.u32 s0, $0xA;
	s2 =	sadd.s32 s3, s2  }
0x8d: {  	s2 =	sadd.s32 s2, s17  }
0x8e: {  	[smem:$0x3FC6] =	sst s2  }
0x8f: {  	_ = 	snop  }
0x90: {  	s2 =	sld [smem:$0x3FD0];
	(tm) =	ssettm $0x1  }
0x91: {  	s18 =	sld [smem:$0x3FFB];
	_ =	sdelay $0x3  }
0x92: {  	_ =	strace s18  }
0x93: {  	s3 =	sld [smem:$0x3FFC];
	_ =	sdelay $0x3  }
0x94: {  	_ =	strace s3  }
0x95: {  	s3 =	sld [smem:$0x3FFD];
	_ =	sdelay $0x3  }
0x96: {  	_ =	strace s3  }
0x97: {  	_ =	strace $0x8FFFFFFF  }
0x98: {  	s19 =	sld [smem:$0x3FDB];
	_ =	sdelay $0x1  }
0x99: {  	s4 =	simm.s32 $_scs_section_size  }
0x9a: {  	s5 =	simm.s32 $_size__tile_overlayer_lowered;
	s6 =	simm.s32 $_tile_overlayer_lowered  }
0x9b: {  	s22 =	simm.s32 $0x1BFF;
	s21 =	sshll.u32 s6, $0x1;
	s3 =	sadd.s32 s4, s19  }
0x9c: {  	s7 =	simm.s32 $0x0;
	s20 =	sshll.u32 s5, $0x1;
	s5 =	sadd.s32 s21, s3  }
0x9d: {  	[timem:s7], [sflag:s22] =	dma.local [hbm:s5], s20  }
0x9e: {  	_ =	swait.ge [sflag:s22], s20  }
0x9f: {  	s4 =	ssub.s32 $0x0, s20;
	[sflag:s22] =	ssyncset.done $0x0  }
0xa0: {  	[sflag:s22] =	ssyncadd.s32 s4;
	_ =	sdelay $0x1  }
0xa1: {  	s23 =	simm.s32 $0x1B8B  }
0xa2: {  	_ =	swait.ge [sflag:s23], $0x1  }
0xa3: {  	[sflag:s23] =	ssyncset.done $0x0  }
0xa4: {  	s25 =	simm.s32 $0x1B8E;
	s24 =	sld [smem:$0x3FFE];
	[sflag:s23] =	ssyncadd.s32 $0xFFFFFFFF  }
0xa5: {  	s26 =	simm.s32 $execute0_lowered;
	[smem:$0x3FD2] =	sst s25  }
0xa6: {  	s5 =	sshll.u32 s26, $0x1;
	_ =	strace $0x80000046;
	[dreg:$0x1] =	wrdreg $0xFFFFFFFF  }
0xa7: {  	s28 =	simm.s32 $_size_execute0_lowered;
	s3 =	sadd.s32 s3, s5;
	[dreg:$0x0] =	wrdreg $0x0  }
0xa8: {  	s5 =	sshll.u32 s28, $0x1;
	[dreg:$0x2] =	wrdreg s3  }
0xa9: {  	[dreg:$0x3] =	wrdreg s5  }
0xaa: {  	[dreg:$0x4] =	wrdreg $0xC0  }
0xab: {  	_ =	task [dreg:s7], $0x5FFFF  }
0xac: {  	[dreg:$0x1] =	wrdreg $0xFFFFFFFF  }
0xad: {  	[dreg:$0x0] =	wrdreg $0x60  }
0xae: {  	[dreg:$0x2] =	wrdreg s24  }
0xaf: {  	[dreg:$0x3] =	wrdreg s2  }
0xb0: {  	[dreg:$0x4] =	wrdreg $0x9  }
0xb1: {  	_ =	task.clear_ibuf [dreg:s7], $0x5FFFF;
	_ =	strace $0x90000046  }
0xb2: {  	s29 =	simm.s32 $0x9;
	_ =	strace $0x80000048  }
0xb3: {  	_ =	swait.ge [sflag:s29], $0x1  }
0xb4: {  	[sflag:s29] =	ssyncadd.s32 $0xFFFFFFFF  }
0xb5: {  	_ =	strace $0x90000048  }
0xb6: {  	_ =	sfence  }
0xb7: {  	s30 =	sld [smem:$0x0];
	_ =	sdelay $0x2  }
0xb8: {  	s31 =	sshll.u32 s1, $0xD;
	s1 =	sshrl.u32 s1, $0x2  }
0xb9: {  	s3 =	sand.u32 $0x4000, s31;
	s1 =	sadd.s32 s1, s30  }
0xba: {  	s0 =	sor.u32 s3, s0;
	s1 =	sshll.u32 s1, $0x11  }
0xbb: {  	s0 =	sor.u32 s1, s0  }
0xbc: {  	s0 =	sadd.s32 $0x8F2B, s0  }
0xbd: {  	[sflag:s0] =	ssyncadd.remote.s32 $0x1  }
0xbe: {  	_ =	sfence.sel $0xFFFF  }
0xbf: {  	[dreg:$0x0] =	wrdreg $0xFFFFFFFF;
	(pc) =	sbr.abs _section_cstart, $3  }
0xc0: {  	[dreg:$0x1] =	wrdreg $0xFFFFFFFF  }
0xc1: {  	_ =	task.clear_ibuf [dreg:s7], $0x2FFFF;
	_ =	strace $0x9FFFFFFF  }
0xc2: {  	(tm) =	ssettm $0x7FFFFFFF  }
0xc3: {  	_ =	shalt  }
tec
execute0_lowered:
.L_overlay_start_1:
0x0: {  	(tag) =	ssettag $0x1  }
0x1: {  	s1 =	srdreg.scid;
	s0 =	stileid.u32  }
0x2: {  	s1 =	sand.u32 $0x1, s1;
	s2 =	sshll.u32 s0, $0x1  }
0x3: {  	s9 =	sor.u32 s1, s2  }
0x4: {  	s3 =	smul.u32 $0x320, s9  }
0x5: {  	s4 =	rddreg [dreg:$0x0]  }
0x6: {  	s12 =	rddreg [dreg:$0x1];
	s2 =	simm.s32 $0x0;
	s3 =	sadd.s32 s3, s4  }
0x7: {  	[smem:$0x7FF] =	sst s2;
	s26 =	smul.u32 $0x6400, s9;
	s3 =	sadd.s32 $0x600, s3  }
0x8: {  	_ =	strace $0x80000047;
	[dreg:$0x3] =	wrdreg s3  }
0x9: {  	s3 =	sadd.s32 s12, s26;
	s5 =	rddreg [dreg:$0x3]  }
0xa: {  	[dreg:$0x4] =	wrdreg s3;
	s3 =	simm.s32 $0x9  }
0xb: {  	[tilespmem:s2], [sflag:$0x9] =	stream.linear.gather [hbm4b:s5+s2], $0x1900, $0x38;
	[tilespmem:$0x1A900] =	vst v63  }
0xc: {  	_ =	swait.ge [sflag:s3], $0x1900  }
0xd: {  	s6 =	simm.s32 $0x1900;
	[sflag:s3] =	ssyncset.done $0x0  }
0xe: {  	s4 =	sadd.s32 $0xF42A00, s4;
	s5 =	simm.s32 $0x320;
	[sflag:s3] =	ssyncadd.s32 $0xFFFFE700  }
0xf: {  	[tilespmem:s6], [sflag:$0x1] =	stream.indirect.gather [hbm4b:s4+s5], $0x20, s2, s5, $0xb8;
	[tilespmem:$0x1A900] =	vst v63  }
0x10: {  	s7 =	simm.s32 $0x7D00;
	s8 =	simm.s32 $0x1  }
0x11: {  	[tilespmem:s7], [sflag:$0x2] =	stream.indirect.gather [hbm4b:s4+s5], $0x20, s5, s5, $0xb8;
	[tilespmem:$0x1A900] =	vst v63  }
0x12: {  	_ =	swait.ge [sflag:s8], $0x6400  }
0x13: {  	[sflag:s8] =	ssyncset.done $0x0  }
0x14: {  	s11 =	simm.s32 $0x2;
	s10 =	rddreg [dreg:$0x4];
	[sflag:s8] =	ssyncadd.s32 $0xFFFF9C00  }
0x15: {  	[hbm4b:s10+s2] =	stream.linear.scatter [tilespmem:s6], [sflag:$0x5], $0x6400, $0x38;
	[tilespmem:$0x1A900] =	vst v63  }
0x16: {  	s13 =	smul.u32 $0x32000, s9;
	s9 =	simm.s32 $0x640;
	s10 =	simm.s32 $0xE100  }
0x17: {  	[tilespmem:s10], [sflag:$0x3] =	stream.indirect.gather [hbm4b:s4+s5], $0x20, s9, s5, $0xb8;
	[tilespmem:$0x1A900] =	vst v63  }
0x18: {  	s13 =	sshrl.u32 s13, $0x3;
	_ =	swait.ge [sflag:s11], $0x6400  }
0x19: {  	s31 =	sadd.s32 s12, s13;
	[sflag:s11] =	ssyncset.done $0x0  }
0x1a: {  	s12 =	sadd.s32 $0xC80, s31;
	[sflag:s11] =	ssyncadd.s32 $0xFFFF9C00  }
0x1b: {  	[hbm4b:s12+s2] =	stream.linear.scatter [tilespmem:s7], [sflag:$0x6], $0x6400, $0x38;
	[tilespmem:$0x1A900] =	vst v63  }
0x1c: {  	s14 =	simm.s32 $0x14500;
	s15 =	simm.s32 $0x3;
	s13 =	simm.s32 $0x960  }
0x1d: {  	[tilespmem:s14], [sflag:$0x4] =	stream.indirect.gather [hbm4b:s4+s5], $0x20, s13, s5, $0xb8;
	[tilespmem:$0x1A900] =	vst v63  }
0x1e: {  	_ =	swait.ge [sflag:s15], $0x6400  }
0x1f: {  	[sflag:s15] =	ssyncset.done $0x0  }
0x20: {  	s17 =	simm.s32 $0x5;
	s16 =	sadd.s32 $0x1900, s31;
	[sflag:s15] =	ssyncadd.s32 $0xFFFF9C00  }
0x21: {  	[hbm4b:s16+s2] =	stream.linear.scatter [tilespmem:s10], [sflag:$0x7], $0x6400, $0x38;
	[tilespmem:$0x1A900] =	vst v63  }
0x22: {  	_ =	swait.ge [sflag:s17], $0x6400  }
0x23: {  	[sflag:s17] =	ssyncset.done $0x0  }
0x24: {  	s18 =	simm.s32 $0xC80;
	s19 =	simm.s32 $0x4;
	[sflag:s17] =	ssyncadd.s32 $0xFFFF9C00  }
0x25: {  	[tilespmem:s6], [sflag:$0x1] =	stream.indirect.gather [hbm4b:s4+s5], $0x20, s18, s5, $0xb8;
	[tilespmem:$0x1A900] =	vst v63  }
0x26: {  	_ =	swait.ge [sflag:s19], $0x6400  }
0x27: {  	[sflag:s19] =	ssyncset.done $0x0  }
0x28: {  	s21 =	simm.s32 $0x6;
	s20 =	sadd.s32 $0x2580, s31;
	[sflag:s19] =	ssyncadd.s32 $0xFFFF9C00  }
0x29: {  	[hbm4b:s20+s2] =	stream.linear.scatter [tilespmem:s14], [sflag:$0x8], $0x6400, $0x38;
	[tilespmem:$0x1A900] =	vst v63  }
0x2a: {  	_ =	swait.ge [sflag:s21], $0x6400  }
0x2b: {  	[sflag:s21] =	ssyncset.done $0x0  }
0x2c: {  	s22 =	simm.s32 $0xFA0;
	[sflag:s21] =	ssyncadd.s32 $0xFFFF9C00  }
0x2d: {  	[tilespmem:s7], [sflag:$0x2] =	stream.indirect.gather [hbm4b:s4+s5], $0x20, s22, s5, $0xb8;
	[tilespmem:$0x1A900] =	vst v63  }
0x2e: {  	_ =	swait.ge [sflag:s8], $0x6400  }
0x2f: {  	[sflag:s8] =	ssyncset.done $0x0  }
0x30: {  	s24 =	simm.s32 $0x7;
	s23 =	sadd.s32 $0x3200, s31;
	[sflag:s8] =	ssyncadd.s32 $0xFFFF9C00  }
0x31: {  	[hbm4b:s23+s2] =	stream.linear.scatter [tilespmem:s6], [sflag:$0x5], $0x6400, $0x38;
	[tilespmem:$0x1A900] =	vst v63  }
0x32: {  	_ =	swait.ge [sflag:s24], $0x6400  }
0x33: {  	[sflag:s24] =	ssyncset.done $0x0  }
0x34: {  	s25 =	simm.s32 $0x12C0;
	[sflag:s24] =	ssyncadd.s32 $0xFFFF9C00  }
0x35: {  	[tilespmem:s10], [sflag:$0x3] =	stream.indirect.gather [hbm4b:s4+s5], $0x20, s25, s5, $0xb8;
	[tilespmem:$0x1A900] =	vst v63  }
0x36: {  	_ =	swait.ge [sflag:s11], $0x6400  }
0x37: {  	[sflag:s11] =	ssyncset.done $0x0  }
0x38: {  	s28 =	sadd.s32 $0x3E80, s31;
	s26 =	simm.s32 $0x8;
	[sflag:s11] =	ssyncadd.s32 $0xFFFF9C00  }
0x39: {  	[hbm4b:s28+s2] =	stream.linear.scatter [tilespmem:s7], [sflag:$0x6], $0x6400, $0x38;
	[tilespmem:$0x1A900] =	vst v63  }
0x3a: {  	_ =	swait.ge [sflag:s26], $0x6400  }
0x3b: {  	[sflag:s26] =	ssyncset.done $0x0  }
0x3c: {  	s29 =	simm.s32 $0x15E0;
	[sflag:s26] =	ssyncadd.s32 $0xFFFF9C00  }
0x3d: {  	[tilespmem:s14], [sflag:$0x4] =	stream.indirect.gather [hbm4b:s4+s5], $0x20, s29, s5, $0xb8;
	[tilespmem:$0x1A900] =	vst v63  }
0x3e: {  	_ =	swait.ge [sflag:s15], $0x6400  }
0x3f: {  	[sflag:s15] =	ssyncset.done $0x0  }
0x40: {  	s30 =	sadd.s32 $0x4B00, s31;
	[sflag:s15] =	ssyncadd.s32 $0xFFFF9C00  }
0x41: {  	[hbm4b:s30+s2] =	stream.linear.scatter [tilespmem:s10], [sflag:$0x7], $0x6400, $0x38;
	[tilespmem:$0x1A900] =	vst v63  }
0x42: {  	_ =	swait.ge [sflag:s19], $0x6400  }
0x43: {  	[sflag:s19] =	ssyncset.done $0x0  }
0x44: {  	s31 =	sadd.s32 $0x5780, s31;
	[sflag:s19] =	ssyncadd.s32 $0xFFFF9C00  }
0x45: {  	[hbm4b:s31+s2] =	stream.linear.scatter [tilespmem:s14], [sflag:$0x8], $0x6400, $0x38;
	[tilespmem:$0x1A900] =	vst v63  }
0x46: {  	s1 =	ssub.s32 $0x2, s1;
	_ =	swait.ge [sflag:s17], $0x6400  }
0x47: {  	s0 =	sshrl.u32 s1, $0x1;
	[sflag:s17] =	ssyncset.done $0x0  }
0x48: {  	s0 =	ssub.s32 s1, s0;
	[sflag:s17] =	ssyncadd.s32 $0xFFFF9C00  }
0x49: {  	s0 =	smax.u32 s0, $0x1;
	_ =	swait.ge [sflag:s21], $0x6400  }
0x4a: {  	p0 =	sne.s32 s0, $0x1;
	[sflag:s21] =	ssyncset.done $0x0  }
.Ltmp0:
0x4b: {  	[sflag:s21] =	ssyncadd.s32 $0xFFFF9C00;
	(pc) =	sbr.rel @!p0 .LBB2_2-.Ltmp0, $4  }
0x4c: {  	_ =	swait.ge [sflag:s24], $0x6400  }
0x4d: {  	[sflag:s24] =	ssyncset.done $0x0  }
0x4e: {  	[sflag:s24] =	ssyncadd.s32 $0xFFFF9C00  }
0x4f: {  	s1 =	sadd.s32 $0xFFFFFFFF, s0;
	_ =	swait.ge [sflag:s26], $0x6400  }
.LBB2_1:
0x50: {  	[sflag:s26] =	ssyncset.done $0x0  }
0x51: {  	s0 =	rddreg [dreg:$0x3];
	[sflag:s26] =	ssyncadd.s32 $0xFFFF9C00  }
0x52: {  	[tilespmem:s2], [sflag:$0x9] =	stream.linear.gather [hbm4b:s0+s2], $0x1900, $0x38;
	[tilespmem:$0x1A900] =	vst v63  }
0x53: {  	_ =	swait.ge [sflag:s3], $0x1900  }
0x54: {  	[sflag:s3] =	ssyncset.done $0x0  }
0x55: {  	[sflag:s3] =	ssyncadd.s32 $0xFFFFE700  }
0x56: {  	[tilespmem:s6], [sflag:$0x1] =	stream.indirect.gather [hbm4b:s4+s5], $0x20, s2, s5, $0xb8;
	[tilespmem:$0x1A900] =	vst v63  }
0x57: {  	_ = 	snop  }
0x58: {  	[tilespmem:s7], [sflag:$0x2] =	stream.indirect.gather [hbm4b:s4+s5], $0x20, s5, s5, $0xb8;
	[tilespmem:$0x1A900] =	vst v63  }
0x59: {  	_ =	swait.ge [sflag:s8], $0x6400  }
0x5a: {  	[sflag:s8] =	ssyncset.done $0x0  }
0x5b: {  	s0 =	rddreg [dreg:$0x4];
	[sflag:s8] =	ssyncadd.s32 $0xFFFF9C00  }
0x5c: {  	[hbm4b:s0+s2] =	stream.linear.scatter [tilespmem:s6], [sflag:$0x5], $0x6400, $0x38;
	[tilespmem:$0x1A900] =	vst v63  }
0x5d: {  	_ = 	snop  }
0x5e: {  	[tilespmem:s10], [sflag:$0x3] =	stream.indirect.gather [hbm4b:s4+s5], $0x20, s9, s5, $0xb8;
	[tilespmem:$0x1A900] =	vst v63  }
0x5f: {  	_ =	swait.ge [sflag:s11], $0x6400  }
0x60: {  	[sflag:s11] =	ssyncset.done $0x0  }
0x61: {  	[sflag:s11] =	ssyncadd.s32 $0xFFFF9C00  }
0x62: {  	[hbm4b:s12+s2] =	stream.linear.scatter [tilespmem:s7], [sflag:$0x6], $0x6400, $0x38;
	[tilespmem:$0x1A900] =	vst v63  }
0x63: {  	_ = 	snop  }
0x64: {  	[tilespmem:s14], [sflag:$0x4] =	stream.indirect.gather [hbm4b:s4+s5], $0x20, s13, s5, $0xb8;
	[tilespmem:$0x1A900] =	vst v63  }
0x65: {  	_ =	swait.ge [sflag:s15], $0x6400  }
0x66: {  	[sflag:s15] =	ssyncset.done $0x0  }
0x67: {  	[sflag:s15] =	ssyncadd.s32 $0xFFFF9C00  }
0x68: {  	[hbm4b:s16+s2] =	stream.linear.scatter [tilespmem:s10], [sflag:$0x7], $0x6400, $0x38;
	[tilespmem:$0x1A900] =	vst v63  }
0x69: {  	_ =	swait.ge [sflag:s17], $0x6400  }
0x6a: {  	[sflag:s17] =	ssyncset.done $0x0  }
0x6b: {  	[sflag:s17] =	ssyncadd.s32 $0xFFFF9C00  }
0x6c: {  	[tilespmem:s6], [sflag:$0x1] =	stream.indirect.gather [hbm4b:s4+s5], $0x20, s18, s5, $0xb8;
	[tilespmem:$0x1A900] =	vst v63  }
0x6d: {  	_ =	swait.ge [sflag:s19], $0x6400  }
0x6e: {  	[sflag:s19] =	ssyncset.done $0x0  }
0x6f: {  	[sflag:s19] =	ssyncadd.s32 $0xFFFF9C00  }
0x70: {  	[hbm4b:s20+s2] =	stream.linear.scatter [tilespmem:s14], [sflag:$0x8], $0x6400, $0x38;
	[tilespmem:$0x1A900] =	vst v63  }
0x71: {  	_ =	swait.ge [sflag:s21], $0x6400  }
0x72: {  	[sflag:s21] =	ssyncset.done $0x0  }
0x73: {  	[sflag:s21] =	ssyncadd.s32 $0xFFFF9C00  }
0x74: {  	[tilespmem:s7], [sflag:$0x2] =	stream.indirect.gather [hbm4b:s4+s5], $0x20, s22, s5, $0xb8;
	[tilespmem:$0x1A900] =	vst v63  }
0x75: {  	_ =	swait.ge [sflag:s8], $0x6400  }
0x76: {  	[sflag:s8] =	ssyncset.done $0x0  }
0x77: {  	[sflag:s8] =	ssyncadd.s32 $0xFFFF9C00  }
0x78: {  	[hbm4b:s23+s2] =	stream.linear.scatter [tilespmem:s6], [sflag:$0x5], $0x6400, $0x38;
	[tilespmem:$0x1A900] =	vst v63  }
0x79: {  	_ =	swait.ge [sflag:s24], $0x6400  }
0x7a: {  	[sflag:s24] =	ssyncset.done $0x0  }
0x7b: {  	[sflag:s24] =	ssyncadd.s32 $0xFFFF9C00  }
0x7c: {  	[tilespmem:s10], [sflag:$0x3] =	stream.indirect.gather [hbm4b:s4+s5], $0x20, s25, s5, $0xb8;
	[tilespmem:$0x1A900] =	vst v63  }
0x7d: {  	_ =	swait.ge [sflag:s11], $0x6400  }
0x7e: {  	[sflag:s11] =	ssyncset.done $0x0  }
0x7f: {  	[sflag:s11] =	ssyncadd.s32 $0xFFFF9C00  }
0x80: {  	[hbm4b:s28+s2] =	stream.linear.scatter [tilespmem:s7], [sflag:$0x6], $0x6400, $0x38;
	[tilespmem:$0x1A900] =	vst v63  }
0x81: {  	_ =	swait.ge [sflag:s26], $0x6400  }
0x82: {  	[sflag:s26] =	ssyncset.done $0x0  }
0x83: {  	[sflag:s26] =	ssyncadd.s32 $0xFFFF9C00  }
0x84: {  	[tilespmem:s14], [sflag:$0x4] =	stream.indirect.gather [hbm4b:s4+s5], $0x20, s29, s5, $0xb8;
	[tilespmem:$0x1A900] =	vst v63  }
0x85: {  	_ =	swait.ge [sflag:s15], $0x6400  }
0x86: {  	[sflag:s15] =	ssyncset.done $0x0  }
0x87: {  	[sflag:s15] =	ssyncadd.s32 $0xFFFF9C00  }
0x88: {  	[hbm4b:s30+s2] =	stream.linear.scatter [tilespmem:s10], [sflag:$0x7], $0x6400, $0x38;
	[tilespmem:$0x1A900] =	vst v63  }
0x89: {  	_ =	swait.ge [sflag:s19], $0x6400  }
0x8a: {  	[sflag:s19] =	ssyncset.done $0x0  }
0x8b: {  	[sflag:s19] =	ssyncadd.s32 $0xFFFF9C00  }
0x8c: {  	[hbm4b:s31+s2] =	stream.linear.scatter [tilespmem:s14], [sflag:$0x8], $0x6400, $0x38;
	[tilespmem:$0x1A900] =	vst v63  }
0x8d: {  	_ =	swait.ge [sflag:s17], $0x6400  }
0x8e: {  	[sflag:s17] =	ssyncset.done $0x0  }
0x8f: {  	[sflag:s17] =	ssyncadd.s32 $0xFFFF9C00  }
0x90: {  	_ =	swait.ge [sflag:s21], $0x6400  }
0x91: {  	p0 =	sne.s32 s1, $0x1;
	[sflag:s21] =	ssyncset.done $0x0  }
.Ltmp1:
0x92: {  	[sflag:s21] =	ssyncadd.s32 $0xFFFF9C00;
	(pc) =	sbr.rel @p0 .LBB2_1-.Ltmp1, $4  }
0x93: {  	_ =	swait.ge [sflag:s24], $0x6400  }
0x94: {  	[sflag:s24] =	ssyncset.done $0x0  }
0x95: {  	[sflag:s24] =	ssyncadd.s32 $0xFFFF9C00  }
0x96: {  	s1 =	sadd.s32 $0xFFFFFFFF, s1;
	_ =	swait.ge [sflag:s26], $0x6400  }
.LBB2_2:
0x97: {  	[sflag:s26] =	ssyncset.done $0x0  }
0x98: {  	[sflag:s26] =	ssyncadd.s32 $0xFFFF9C00  }
0x99: {  	_ =	sfence.sel $0x180000  }
0x9a: {  	[bflag:$0x0] =	sbarrier.arrive $0xFFFF  }
0x9b: {  	_ =	strace $0x90000047  }
0x9c: {  	s0 =	stileid.u32;
	[bflag:$0x2] =	sbarrier.arrive $0xFFFF  }
0x9d: {  	p0 =	sne.s32 s0, $0x0;
	s0 =	rddreg [dreg:$0x2]  }
0x9e: {  	s0 =	sadd.s32 @!p0 $0x100000, s0  }
0x9f: {  	[sflag:s0] =	ssyncadd.tile.s32 @!p0 $0x1;
	_ =	shalt  }
.Lfunc_end2:
_tile_overlayer_lowered:
.L_overlay_start_2:
0xa0: {  	(tag) =	ssettag $0x2  }
0xa1: {  	s0 =	rddreg [dreg:$0x0];
	s2 =	stileid.u32  }
0xa2: {  	s1 =	rddreg [dreg:$0x1];
	p0 =	sne.s32 s2, $0x0  }
0xa3: {  	s3 =	rddreg [dreg:$0x2];
	[bflag:$0x3] =	sbarrier.arrive $0xFFFF;
	s2 =	simm.s32 @!p0 $0x1C09  }
0xa4: {  	[timem:s3], [sflag:s2] =	dma.local @!p0 [hbm:s0], s1  }
0xa5: {  	s0 =	simm.s32 @!p0 $0x9  }
0xa6: {  	_ =	swait.ge @!p0 [sflag:s0], s1  }
0xa7: {  	s1 =	ssub.s32 @!p0 $0x0, s1;
	[sflag:s0] =	ssyncset.done @!p0 $0x0  }
0xa8: {  	[sflag:s0] =	ssyncadd.s32 @!p0 s1  }
0xa9: {  	[bflag:$0x3] =	sbarrier.arrive $0xFFFF  }
0xaa: {  	_ =	shalt  }

</sc_bundles>
